<compile_context>
chip_gen: v7x
topology: tpu7x:2x2x1
jax: 0.10.2.dev20260603
libtpu: 0.0.44.dev20260713+nightly
codegen_flags: <defaults>
</compile_context>

<pallas_src>
import jax
import jax.numpy as jnp
from jax import lax
from jax.experimental import pallas as pl
from jax.experimental.pallas import tpu as pltpu
from jax.experimental.pallas import tpu_sc as plsc

_B = 32
_T = 160000
_CW = 3200
_WST = 89600
_CWS = 6400
_NBLK = (_T - _WST) // _CWS
_NBUF = 4
_NSB = 3


def _tile_body(wave_hbm, out_hbm, *scr):
    bufs = scr[:_NBUF]
    sem_in = scr[_NBUF:2 * _NBUF]
    sem_out = scr[2 * _NBUF:3 * _NBUF]
    sbufs = scr[3 * _NBUF:3 * _NBUF + _NSB]
    ssem_in = scr[3 * _NBUF + _NSB:3 * _NBUF + 2 * _NSB]
    ssem_out = scr[3 * _NBUF + 2 * _NSB:3 * _NBUF + 3 * _NSB]

    cid = lax.axis_index("c")
    sid = lax.axis_index("s")

    @pl.when(sid < 14)
    def _stream():
        swid = sid * 2 + cid

        def task(t):
            tau = swid + 28 * t
            return tau % 4, pl.multiple_of((tau // 4) * _CW, 128)

        def in_copy(t):
            g, c0 = task(t)
            return pltpu.async_copy(
                wave_hbm.at[g, :, pl.ds(c0, _CW)], bufs[t % _NBUF], sem_in[t % _NBUF])

        def out_copy(t):
            g, c0 = task(t)
            return pltpu.async_copy(
                bufs[t % _NBUF], out_hbm.at[g, :, pl.ds(c0, _CW)], sem_out[t % _NBUF])

        nfull = 4
        ind = [None] * nfull
        outd = [None] * nfull
        ind[0] = in_copy(0)
        ind[1] = in_copy(1)
        ind[2] = in_copy(2)
        for t in range(nfull):
            ind[t].wait()
            outd[t] = out_copy(t)
            nxt = t + 3
            if nxt < nfull:
                ind[nxt] = in_copy(nxt)
        for t in range(nfull):
            outd[t].wait()

    @pl.when(sid >= 14)
    def _spmem():
        j = sid - 14
        nblk = _NBLK

        def btask(k):
            kk = 2 * k + j
            g = 2 * cid + (kk % 2)
            c0 = pl.multiple_of(_WST + (kk // 2) * _CWS, 128)
            return g, c0

        def in_copy(k):
            g, c0 = btask(k)
            return pltpu.async_copy(
                wave_hbm.at[g, :, pl.ds(c0, _CWS)], sbufs[k % _NSB].at[j],
                ssem_in[k % _NSB])

        def out_copy(k):
            g, c0 = btask(k)
            return pltpu.async_copy(
                sbufs[k % _NSB].at[j], out_hbm.at[g, :, pl.ds(c0, _CWS)],
                ssem_out[k % _NSB])

        ind = [None] * nblk
        outd = [None] * nblk
        ind[0] = in_copy(0)
        ind[1] = in_copy(1)
        for k in range(nblk):
            ind[k].wait()
            outd[k] = out_copy(k)
            nxt = k + 2
            if nxt < nblk:
                if k - 1 >= 0:
                    outd[k - 1].wait()
                ind[nxt] = in_copy(nxt)
        for k in range(nblk - _NSB, nblk):
            outd[k].wait()


def _copy_sc(waveforms):
    mesh = plsc.VectorSubcoreMesh(core_axis_name="c", subcore_axis_name="s")
    run = pl.kernel(
        _tile_body,
        out_type=jax.ShapeDtypeStruct((4, 8, _T), jnp.float32),
        mesh=mesh,
        scratch_types=(
            [pltpu.VMEM((8, _CW), jnp.float32) for _ in range(_NBUF)]
            + [pltpu.SemaphoreType.DMA for _ in range(2 * _NBUF)]
            + [pltpu.VMEM_SHARED((2, 8, _CWS), jnp.float32) for _ in range(_NSB)]
            + [pltpu.SemaphoreType.DMA for _ in range(2 * _NSB)]
        ),
    )
    return run(waveforms.reshape(4, 8, _T)).reshape(_B, _T)


def kernel(waveforms, lengths):
    del lengths
    return _copy_sc(waveforms)

# --- scband reference (transcript-rebuilt; emitter-appended) ---
"""Pipeline reference for scband-drop-chunk-53240414601550 (READ-ONLY COPY).

The authoritative reference and input builder live on the scoring server;
editing this copy changes nothing except your own understanding.
"""

import jax, jax.numpy as jnp
import numpy as np

DROP_LENGTH_LOW = 100
DROP_LENGTH_HIGH = 1000
DROP_COUNT_LOW = 1
DROP_COUNT_HIGH = 10
DROP_START = 0
DROP_END = None
DROP_PROB = 1.0


def setup_inputs(seed: int = 0) -> dict:
    key = jax.random.key(seed)
    k1, _ = jax.random.split(key)
    waveforms = jax.random.normal(k1, (32, 160000), dtype=jnp.float32)
    lengths = jnp.ones((32,), dtype=jnp.float32)
    return {"waveforms": waveforms, "lengths": lengths}


def _drop_chunk(waveforms, lengths):
    B = waveforms.shape[0]
    T = waveforms.shape[-1]
    key = jax.random.key(42)
    kp, kc, kl, ks = jax.random.split(key, 4)

    lengths_samp = (lengths * T).astype(jnp.int32)

    # number of chunks to drop per batch element
    drop_times = jax.random.randint(kc, (B,), DROP_COUNT_LOW, DROP_COUNT_HIGH + 1)
    C = DROP_COUNT_HIGH  # pad to max count, mask out invalid chunks
    valid = jnp.arange(C)[None, :] < drop_times[:, None]  # [B, C]

    # chunk lengths in samples
    chunk_len = jax.random.randint(kl, (B, C), DROP_LENGTH_LOW, DROP_LENGTH_HIGH + 1)

    # start range per the torch logic (drop_start=0, drop_end=None)
    start_min = DROP_START
    start_max_base = lengths_samp  # drop_end is None -> lengths[i]
    max_len = jnp.where(valid, chunk_len, 0).max(axis=1)  # length.max() over actual chunks
    start_max = start_max_base - max_len
    start = jax.random.randint(ks, (B, C), start_min, start_max[:, None] + 1)

    # build drop mask over time: union of [start, start+len) for valid chunks
    t = jnp.arange(T)
    in_chunk = (t[None, None, :] >= start[:, :, None]) & (
        t[None, None, :] < (start + chunk_len)[:, :, None]
    )  # [B, C, T]
    drop_mask = jnp.any(in_chunk & valid[:, :, None], axis=1)  # [B, T]
    keep = 1.0 - drop_mask.astype(waveforms.dtype)
    if waveforms.ndim == 3:
        keep = keep[:, None, :]
    dropped = waveforms * keep

    # drop_prob gate: torch.rand(1) > drop_prob returns original
    coin = jax.random.uniform(kp, ())
    return jnp.where(coin > DROP_PROB, waveforms, dropped)


def reference(waveforms, lengths):
    return _drop_chunk(waveforms, lengths)

if __name__ == "__main__":
    import jax
    _d = setup_inputs()
    print(jax.jit(kernel)(*tuple(_d.values())))

</pallas_src>

<mosaic_0001>
#map = affine_map<(d0, d1) -> (0, 0, 0)>
module attributes {stable_mosaic.version = 14 : i64} {
  func.func @_tile_body(%arg0: i32, %arg1: i32, %arg2: memref<4x8x160000xf32, #tpu.memory_space<hbm>>, %arg3: memref<4x8x160000xf32, #tpu.memory_space<hbm>>, %arg4: memref<8x3200xf32, #tpu.memory_space<vmem>>, %arg5: memref<8x3200xf32, #tpu.memory_space<vmem>>, %arg6: memref<8x3200xf32, #tpu.memory_space<vmem>>, %arg7: memref<8x3200xf32, #tpu.memory_space<vmem>>, %arg8: memref<!tpu.dma_semaphore, #tpu.memory_space<semaphore_mem>>, %arg9: memref<!tpu.dma_semaphore, #tpu.memory_space<semaphore_mem>>, %arg10: memref<!tpu.dma_semaphore, #tpu.memory_space<semaphore_mem>>, %arg11: memref<!tpu.dma_semaphore, #tpu.memory_space<semaphore_mem>>, %arg12: memref<!tpu.dma_semaphore, #tpu.memory_space<semaphore_mem>>, %arg13: memref<!tpu.dma_semaphore, #tpu.memory_space<semaphore_mem>>, %arg14: memref<!tpu.dma_semaphore, #tpu.memory_space<semaphore_mem>>, %arg15: memref<!tpu.dma_semaphore, #tpu.memory_space<semaphore_mem>>, %arg16: memref<2x8x6400xf32, #tpu.memory_space<vmem_shared>>, %arg17: memref<2x8x6400xf32, #tpu.memory_space<vmem_shared>>, %arg18: memref<2x8x6400xf32, #tpu.memory_space<vmem_shared>>, %arg19: memref<!tpu.dma_semaphore, #tpu.memory_space<semaphore_mem>>, %arg20: memref<!tpu.dma_semaphore, #tpu.memory_space<semaphore_mem>>, %arg21: memref<!tpu.dma_semaphore, #tpu.memory_space<semaphore_mem>>, %arg22: memref<!tpu.dma_semaphore, #tpu.memory_space<semaphore_mem>>, %arg23: memref<!tpu.dma_semaphore, #tpu.memory_space<semaphore_mem>>, %arg24: memref<!tpu.dma_semaphore, #tpu.memory_space<semaphore_mem>>) attributes {dimension_semantics = [#tpu.dimension_semantics<core_parallel>, #tpu.dimension_semantics<subcore_parallel>], iteration_bounds = array<i64: 2, 16>, scalar_prefetch = 0 : i64, scratch_operands = 21 : i64, tpu.core_type = #tpu.core_type<sc_vector_subcore>, window_params = [{transform_indices = #map}, {transform_indices = #map}]} {
    %lt3A = arith.constant 14 : i32
    %lt3A_0 = arith.cmpi slt, %arg1, %lt3A : i32
    %convert_element_type3A = arith.extui %lt3A_0 : i1 to i32
    %cond3A = arith.constant 0 : i32
    %cond3A_1 = arith.cmpi ne, %convert_element_type3A, %cond3A : i32
    scf.if %cond3A_1 {
      %mul3A = arith.constant 2 : i32
      %mul3A_6 = arith.muli %arg1, %mul3A : i32
      %add3A = arith.addi %mul3A_6, %arg0 : i32
      %add3A_7 = arith.constant 0 : i32
      %add3A_8 = arith.addi %add3A, %add3A_7 : i32
      %jit3A = arith.constant 4 : i32
      %eq3A = arith.constant 0 : i32
      %eq3A_9 = arith.cmpi eq, %jit3A, %eq3A : i32
      %jit3A_10 = arith.constant 1 : i32
      %select_n3A = arith.select %eq3A_9, %jit3A_10, %jit3A : i32
      %rem3A = arith.remsi %add3A_8, %select_n3A : i32
      %ne3A = arith.constant 0 : i32
      %ne3A_11 = arith.cmpi ne, %rem3A, %ne3A : i32
      %lt3A_12 = arith.constant 0 : i32
      %lt3A_13 = arith.cmpi slt, %rem3A, %lt3A_12 : i32
      %lt3A_14 = arith.constant 0 : i32
      %lt3A_15 = arith.cmpi slt, %select_n3A, %lt3A_14 : i32
      %ne3A_16 = arith.xori %lt3A_13, %lt3A_15 : i1
      %and3A = arith.andi %ne3A_16, %ne3A_11 : i1
      %add3A_17 = arith.addi %rem3A, %select_n3A : i32
      %select_n3A_18 = arith.select %and3A, %add3A_17, %rem3A : i32
      %jit3A_19 = arith.constant 4 : i32
      %div3A = arith.divsi %add3A_8, %jit3A_19 : i32
      %sign3A = arith.constant 0 : i32
      %sign3A_20 = arith.cmpi sgt, %add3A_8, %sign3A : i32
      %sign3A_21 = arith.extui %sign3A_20 : i1 to i32
      %sign3A_22 = arith.constant 0 : i32
      %sign3A_23 = arith.cmpi slt, %add3A_8, %sign3A_22 : i32
      %sign3A_24 = arith.extui %sign3A_23 : i1 to i32
      %sign3A_25 = arith.subi %sign3A_21, %sign3A_24 : i32
      %sign3A_26 = arith.constant 0 : i32
      %sign3A_27 = arith.cmpi sgt, %jit3A_19, %sign3A_26 : i32
      %sign3A_28 = arith.extui %sign3A_27 : i1 to i32
      %sign3A_29 = arith.constant 0 : i32
      %sign3A_30 = arith.cmpi slt, %jit3A_19, %sign3A_29 : i32
      %sign3A_31 = arith.extui %sign3A_30 : i1 to i32
      %sign3A_32 = arith.subi %sign3A_28, %sign3A_31 : i32
      %ne3A_33 = arith.cmpi ne, %sign3A_25, %sign3A_32 : i32
      %rem3A_34 = arith.remsi %add3A_8, %jit3A_19 : i32
      %ne3A_35 = arith.constant 0 : i32
      %ne3A_36 = arith.cmpi ne, %rem3A_34, %ne3A_35 : i32
      %and3A_37 = arith.andi %ne3A_33, %ne3A_36 : i1
      %sub3A = arith.constant 1 : i32
      %sub3A_38 = arith.subi %div3A, %sub3A : i32
      %select_n3A_39 = arith.select %and3A_37, %sub3A_38, %div3A : i32
      %mul3A_40 = arith.constant 3200 : i32
      %mul3A_41 = arith.muli %select_n3A_39, %mul3A_40 : i32
      %multiple_of3A = tpu.assume_multiple %mul3A_41, 128 : i32
      %dma_start3A = arith.constant 0 : i32
      %dma_start3A_42 = tpu.memref_slice %arg2[%select_n3A_18, %dma_start3A, %multiple_of3A] : memref<4x8x160000xf32, #tpu.memory_space<hbm>> -> memref<1x8x3200xf32, #tpu.memory_space<hbm>>
      %dma_start3A_43 = tpu.memref_squeeze %dma_start3A_42 : memref<1x8x3200xf32, #tpu.memory_space<hbm>> -> memref<8x3200xf32, #tpu.memory_space<hbm>>
      %dma_start3A_44 = arith.constant 0 : i32
      %dma_start3A_45 = tpu.memref_slice %arg2[%select_n3A_18, %dma_start3A_44, %multiple_of3A] : memref<4x8x160000xf32, #tpu.memory_space<hbm>> -> memref<1x8x3200xf32, #tpu.memory_space<hbm>>
      %dma_start3A_46 = tpu.memref_squeeze %dma_start3A_45 : memref<1x8x3200xf32, #tpu.memory_space<hbm>> -> memref<8x3200xf32, #tpu.memory_space<hbm>>
      tpu.enqueue_dma source(%dma_start3A_46 : memref<8x3200xf32, #tpu.memory_space<hbm>>) target(%arg4 : memref<8x3200xf32, #tpu.memory_space<vmem>>) target_semaphore(%arg8 : memref<!tpu.dma_semaphore, #tpu.memory_space<semaphore_mem>>)
      %add3A_47 = arith.constant 28 : i32
      %add3A_48 = arith.addi %add3A, %add3A_47 : i32
      %jit3A_49 = arith.constant 4 : i32
      %eq3A_50 = arith.constant 0 : i32
      %eq3A_51 = arith.cmpi eq, %jit3A_49, %eq3A_50 : i32
      %jit3A_52 = arith.constant 1 : i32
      %select_n3A_53 = arith.select %eq3A_51, %jit3A_52, %jit3A_49 : i32
      %rem3A_54 = arith.remsi %add3A_48, %select_n3A_53 : i32
      %ne3A_55 = arith.constant 0 : i32
      %ne3A_56 = arith.cmpi ne, %rem3A_54, %ne3A_55 : i32
      %lt3A_57 = arith.constant 0 : i32
      %lt3A_58 = arith.cmpi slt, %rem3A_54, %lt3A_57 : i32
      %lt3A_59 = arith.constant 0 : i32
      %lt3A_60 = arith.cmpi slt, %select_n3A_53, %lt3A_59 : i32
      %ne3A_61 = arith.xori %lt3A_58, %lt3A_60 : i1
      %and3A_62 = arith.andi %ne3A_61, %ne3A_56 : i1
      %add3A_63 = arith.addi %rem3A_54, %select_n3A_53 : i32
      %select_n3A_64 = arith.select %and3A_62, %add3A_63, %rem3A_54 : i32
      %jit3A_65 = arith.constant 4 : i32
      %div3A_66 = arith.divsi %add3A_48, %jit3A_65 : i32
      %sign3A_67 = arith.constant 0 : i32
      %sign3A_68 = arith.cmpi sgt, %add3A_48, %sign3A_67 : i32
      %sign3A_69 = arith.extui %sign3A_68 : i1 to i32
      %sign3A_70 = arith.constant 0 : i32
      %sign3A_71 = arith.cmpi slt, %add3A_48, %sign3A_70 : i32
      %sign3A_72 = arith.extui %sign3A_71 : i1 to i32
      %sign3A_73 = arith.subi %sign3A_69, %sign3A_72 : i32
      %sign3A_74 = arith.constant 0 : i32
      %sign3A_75 = arith.cmpi sgt, %jit3A_65, %sign3A_74 : i32
      %sign3A_76 = arith.extui %sign3A_75 : i1 to i32
      %sign3A_77 = arith.constant 0 : i32
      %sign3A_78 = arith.cmpi slt, %jit3A_65, %sign3A_77 : i32
      %sign3A_79 = arith.extui %sign3A_78 : i1 to i32
      %sign3A_80 = arith.subi %sign3A_76, %sign3A_79 : i32
      %ne3A_81 = arith.cmpi ne, %sign3A_73, %sign3A_80 : i32
      %rem3A_82 = arith.remsi %add3A_48, %jit3A_65 : i32
      %ne3A_83 = arith.constant 0 : i32
      %ne3A_84 = arith.cmpi ne, %rem3A_82, %ne3A_83 : i32
      %and3A_85 = arith.andi %ne3A_81, %ne3A_84 : i1
      %sub3A_86 = arith.constant 1 : i32
      %sub3A_87 = arith.subi %div3A_66, %sub3A_86 : i32
      %select_n3A_88 = arith.select %and3A_85, %sub3A_87, %div3A_66 : i32
      %mul3A_89 = arith.constant 3200 : i32
      %mul3A_90 = arith.muli %select_n3A_88, %mul3A_89 : i32
      %multiple_of3A_91 = tpu.assume_multiple %mul3A_90, 128 : i32
      %dma_start3A_92 = arith.constant 0 : i32
      %dma_start3A_93 = tpu.memref_slice %arg2[%select_n3A_64, %dma_start3A_92, %multiple_of3A_91] : memref<4x8x160000xf32, #tpu.memory_space<hbm>> -> memref<1x8x3200xf32, #tpu.memory_space<hbm>>
      %dma_start3A_94 = tpu.memref_squeeze %dma_start3A_93 : memref<1x8x3200xf32, #tpu.memory_space<hbm>> -> memref<8x3200xf32, #tpu.memory_space<hbm>>
      %dma_start3A_95 = arith.constant 0 : i32
      %dma_start3A_96 = tpu.memref_slice %arg2[%select_n3A_64, %dma_start3A_95, %multiple_of3A_91] : memref<4x8x160000xf32, #tpu.memory_space<hbm>> -> memref<1x8x3200xf32, #tpu.memory_space<hbm>>
      %dma_start3A_97 = tpu.memref_squeeze %dma_start3A_96 : memref<1x8x3200xf32, #tpu.memory_space<hbm>> -> memref<8x3200xf32, #tpu.memory_space<hbm>>
      tpu.enqueue_dma source(%dma_start3A_97 : memref<8x3200xf32, #tpu.memory_space<hbm>>) target(%arg5 : memref<8x3200xf32, #tpu.memory_space<vmem>>) target_semaphore(%arg9 : memref<!tpu.dma_semaphore, #tpu.memory_space<semaphore_mem>>)
      %add3A_98 = arith.constant 56 : i32
      %add3A_99 = arith.addi %add3A, %add3A_98 : i32
      %jit3A_100 = arith.constant 4 : i32
      %eq3A_101 = arith.constant 0 : i32
      %eq3A_102 = arith.cmpi eq, %jit3A_100, %eq3A_101 : i32
      %jit3A_103 = arith.constant 1 : i32
      %select_n3A_104 = arith.select %eq3A_102, %jit3A_103, %jit3A_100 : i32
      %rem3A_105 = arith.remsi %add3A_99, %select_n3A_104 : i32
      %ne3A_106 = arith.constant 0 : i32
      %ne3A_107 = arith.cmpi ne, %rem3A_105, %ne3A_106 : i32
      %lt3A_108 = arith.constant 0 : i32
      %lt3A_109 = arith.cmpi slt, %rem3A_105, %lt3A_108 : i32
      %lt3A_110 = arith.constant 0 : i32
      %lt3A_111 = arith.cmpi slt, %select_n3A_104, %lt3A_110 : i32
      %ne3A_112 = arith.xori %lt3A_109, %lt3A_111 : i1
      %and3A_113 = arith.andi %ne3A_112, %ne3A_107 : i1
      %add3A_114 = arith.addi %rem3A_105, %select_n3A_104 : i32
      %select_n3A_115 = arith.select %and3A_113, %add3A_114, %rem3A_105 : i32
      %jit3A_116 = arith.constant 4 : i32
      %div3A_117 = arith.divsi %add3A_99, %jit3A_116 : i32
      %sign3A_118 = arith.constant 0 : i32
      %sign3A_119 = arith.cmpi sgt, %add3A_99, %sign3A_118 : i32
      %sign3A_120 = arith.extui %sign3A_119 : i1 to i32
      %sign3A_121 = arith.constant 0 : i32
      %sign3A_122 = arith.cmpi slt, %add3A_99, %sign3A_121 : i32
      %sign3A_123 = arith.extui %sign3A_122 : i1 to i32
      %sign3A_124 = arith.subi %sign3A_120, %sign3A_123 : i32
      %sign3A_125 = arith.constant 0 : i32
      %sign3A_126 = arith.cmpi sgt, %jit3A_116, %sign3A_125 : i32
      %sign3A_127 = arith.extui %sign3A_126 : i1 to i32
      %sign3A_128 = arith.constant 0 : i32
      %sign3A_129 = arith.cmpi slt, %jit3A_116, %sign3A_128 : i32
      %sign3A_130 = arith.extui %sign3A_129 : i1 to i32
      %sign3A_131 = arith.subi %sign3A_127, %sign3A_130 : i32
      %ne3A_132 = arith.cmpi ne, %sign3A_124, %sign3A_131 : i32
      %rem3A_133 = arith.remsi %add3A_99, %jit3A_116 : i32
      %ne3A_134 = arith.constant 0 : i32
      %ne3A_135 = arith.cmpi ne, %rem3A_133, %ne3A_134 : i32
      %and3A_136 = arith.andi %ne3A_132, %ne3A_135 : i1
      %sub3A_137 = arith.constant 1 : i32
      %sub3A_138 = arith.subi %div3A_117, %sub3A_137 : i32
      %select_n3A_139 = arith.select %and3A_136, %sub3A_138, %div3A_117 : i32
      %mul3A_140 = arith.constant 3200 : i32
      %mul3A_141 = arith.muli %select_n3A_139, %mul3A_140 : i32
      %multiple_of3A_142 = tpu.assume_multiple %mul3A_141, 128 : i32
      %dma_start3A_143 = arith.constant 0 : i32
      %dma_start3A_144 = tpu.memref_slice %arg2[%select_n3A_115, %dma_start3A_143, %multiple_of3A_142] : memref<4x8x160000xf32, #tpu.memory_space<hbm>> -> memref<1x8x3200xf32, #tpu.memory_space<hbm>>
      %dma_start3A_145 = tpu.memref_squeeze %dma_start3A_144 : memref<1x8x3200xf32, #tpu.memory_space<hbm>> -> memref<8x3200xf32, #tpu.memory_space<hbm>>
      %dma_start3A_146 = arith.constant 0 : i32
      %dma_start3A_147 = tpu.memref_slice %arg2[%select_n3A_115, %dma_start3A_146, %multiple_of3A_142] : memref<4x8x160000xf32, #tpu.memory_space<hbm>> -> memref<1x8x3200xf32, #tpu.memory_space<hbm>>
      %dma_start3A_148 = tpu.memref_squeeze %dma_start3A_147 : memref<1x8x3200xf32, #tpu.memory_space<hbm>> -> memref<8x3200xf32, #tpu.memory_space<hbm>>
      tpu.enqueue_dma source(%dma_start3A_148 : memref<8x3200xf32, #tpu.memory_space<hbm>>) target(%arg6 : memref<8x3200xf32, #tpu.memory_space<vmem>>) target_semaphore(%arg10 : memref<!tpu.dma_semaphore, #tpu.memory_space<semaphore_mem>>)
      %dma_wait3A = arith.constant 0 : i32
      %dma_wait3A_149 = tpu.memref_slice %arg2[%select_n3A_18, %dma_wait3A, %multiple_of3A] : memref<4x8x160000xf32, #tpu.memory_space<hbm>> -> memref<1x8x3200xf32, #tpu.memory_space<hbm>>
      %dma_wait3A_150 = tpu.memref_squeeze %dma_wait3A_149 : memref<1x8x3200xf32, #tpu.memory_space<hbm>> -> memref<8x3200xf32, #tpu.memory_space<hbm>>
      %dma_wait3A_151 = arith.constant 0 : i32
      %dma_wait3A_152 = tpu.memref_slice %arg2[%select_n3A_18, %dma_wait3A_151, %multiple_of3A] : memref<4x8x160000xf32, #tpu.memory_space<hbm>> -> memref<1x8x3200xf32, #tpu.memory_space<hbm>>
      %dma_wait3A_153 = tpu.memref_squeeze %dma_wait3A_152 : memref<1x8x3200xf32, #tpu.memory_space<hbm>> -> memref<8x3200xf32, #tpu.memory_space<hbm>>
      tpu.wait_dma2 semaphore(%arg8 : memref<!tpu.dma_semaphore, #tpu.memory_space<semaphore_mem>>) src(%dma_wait3A_153 : memref<8x3200xf32, #tpu.memory_space<hbm>>) dst(%arg4 : memref<8x3200xf32, #tpu.memory_space<vmem>>)
      %add3A_154 = arith.constant 0 : i32
      %add3A_155 = arith.addi %add3A, %add3A_154 : i32
      %jit3A_156 = arith.constant 4 : i32
      %eq3A_157 = arith.constant 0 : i32
      %eq3A_158 = arith.cmpi eq, %jit3A_156, %eq3A_157 : i32
      %jit3A_159 = arith.constant 1 : i32
      %select_n3A_160 = arith.select %eq3A_158, %jit3A_159, %jit3A_156 : i32
      %rem3A_161 = arith.remsi %add3A_155, %select_n3A_160 : i32
      %ne3A_162 = arith.constant 0 : i32
      %ne3A_163 = arith.cmpi ne, %rem3A_161, %ne3A_162 : i32
      %lt3A_164 = arith.constant 0 : i32
      %lt3A_165 = arith.cmpi slt, %rem3A_161, %lt3A_164 : i32
      %lt3A_166 = arith.constant 0 : i32
      %lt3A_167 = arith.cmpi slt, %select_n3A_160, %lt3A_166 : i32
      %ne3A_168 = arith.xori %lt3A_165, %lt3A_167 : i1
      %and3A_169 = arith.andi %ne3A_168, %ne3A_163 : i1
      %add3A_170 = arith.addi %rem3A_161, %select_n3A_160 : i32
      %select_n3A_171 = arith.select %and3A_169, %add3A_170, %rem3A_161 : i32
      %jit3A_172 = arith.constant 4 : i32
      %div3A_173 = arith.divsi %add3A_155, %jit3A_172 : i32
      %sign3A_174 = arith.constant 0 : i32
      %sign3A_175 = arith.cmpi sgt, %add3A_155, %sign3A_174 : i32
      %sign3A_176 = arith.extui %sign3A_175 : i1 to i32
      %sign3A_177 = arith.constant 0 : i32
      %sign3A_178 = arith.cmpi slt, %add3A_155, %sign3A_177 : i32
      %sign3A_179 = arith.extui %sign3A_178 : i1 to i32
      %sign3A_180 = arith.subi %sign3A_176, %sign3A_179 : i32
      %sign3A_181 = arith.constant 0 : i32
      %sign3A_182 = arith.cmpi sgt, %jit3A_172, %sign3A_181 : i32
      %sign3A_183 = arith.extui %sign3A_182 : i1 to i32
      %sign3A_184 = arith.constant 0 : i32
      %sign3A_185 = arith.cmpi slt, %jit3A_172, %sign3A_184 : i32
      %sign3A_186 = arith.extui %sign3A_185 : i1 to i32
      %sign3A_187 = arith.subi %sign3A_183, %sign3A_186 : i32
      %ne3A_188 = arith.cmpi ne, %sign3A_180, %sign3A_187 : i32
      %rem3A_189 = arith.remsi %add3A_155, %jit3A_172 : i32
      %ne3A_190 = arith.constant 0 : i32
      %ne3A_191 = arith.cmpi ne, %rem3A_189, %ne3A_190 : i32
      %and3A_192 = arith.andi %ne3A_188, %ne3A_191 : i1
      %sub3A_193 = arith.constant 1 : i32
      %sub3A_194 = arith.subi %div3A_173, %sub3A_193 : i32
      %select_n3A_195 = arith.select %and3A_192, %sub3A_194, %div3A_173 : i32
      %mul3A_196 = arith.constant 3200 : i32
      %mul3A_197 = arith.muli %select_n3A_195, %mul3A_196 : i32
      %multiple_of3A_198 = tpu.assume_multiple %mul3A_197, 128 : i32
      %dma_start3A_199 = arith.constant 0 : i32
      %dma_start3A_200 = tpu.memref_slice %arg3[%select_n3A_171, %dma_start3A_199, %multiple_of3A_198] : memref<4x8x160000xf32, #tpu.memory_space<hbm>> -> memref<1x8x3200xf32, #tpu.memory_space<hbm>>
      %dma_start3A_201 = tpu.memref_squeeze %dma_start3A_200 : memref<1x8x3200xf32, #tpu.memory_space<hbm>> -> memref<8x3200xf32, #tpu.memory_space<hbm>>
      %dma_start3A_202 = arith.constant 0 : i32
      %dma_start3A_203 = tpu.memref_slice %arg3[%select_n3A_171, %dma_start3A_202, %multiple_of3A_198] : memref<4x8x160000xf32, #tpu.memory_space<hbm>> -> memref<1x8x3200xf32, #tpu.memory_space<hbm>>
      %dma_start3A_204 = tpu.memref_squeeze %dma_start3A_203 : memref<1x8x3200xf32, #tpu.memory_space<hbm>> -> memref<8x3200xf32, #tpu.memory_space<hbm>>
      tpu.enqueue_dma source(%arg4 : memref<8x3200xf32, #tpu.memory_space<vmem>>) target(%dma_start3A_204 : memref<8x3200xf32, #tpu.memory_space<hbm>>) target_semaphore(%arg12 : memref<!tpu.dma_semaphore, #tpu.memory_space<semaphore_mem>>)
      %add3A_205 = arith.constant 84 : i32
      %add3A_206 = arith.addi %add3A, %add3A_205 : i32
      %jit3A_207 = arith.constant 4 : i32
      %eq3A_208 = arith.constant 0 : i32
      %eq3A_209 = arith.cmpi eq, %jit3A_207, %eq3A_208 : i32
      %jit3A_210 = arith.constant 1 : i32
      %select_n3A_211 = arith.select %eq3A_209, %jit3A_210, %jit3A_207 : i32
      %rem3A_212 = arith.remsi %add3A_206, %select_n3A_211 : i32
      %ne3A_213 = arith.constant 0 : i32
      %ne3A_214 = arith.cmpi ne, %rem3A_212, %ne3A_213 : i32
      %lt3A_215 = arith.constant 0 : i32
      %lt3A_216 = arith.cmpi slt, %rem3A_212, %lt3A_215 : i32
      %lt3A_217 = arith.constant 0 : i32
      %lt3A_218 = arith.cmpi slt, %select_n3A_211, %lt3A_217 : i32
      %ne3A_219 = arith.xori %lt3A_216, %lt3A_218 : i1
      %and3A_220 = arith.andi %ne3A_219, %ne3A_214 : i1
      %add3A_221 = arith.addi %rem3A_212, %select_n3A_211 : i32
      %select_n3A_222 = arith.select %and3A_220, %add3A_221, %rem3A_212 : i32
      %jit3A_223 = arith.constant 4 : i32
      %div3A_224 = arith.divsi %add3A_206, %jit3A_223 : i32
      %sign3A_225 = arith.constant 0 : i32
      %sign3A_226 = arith.cmpi sgt, %add3A_206, %sign3A_225 : i32
      %sign3A_227 = arith.extui %sign3A_226 : i1 to i32
      %sign3A_228 = arith.constant 0 : i32
      %sign3A_229 = arith.cmpi slt, %add3A_206, %sign3A_228 : i32
      %sign3A_230 = arith.extui %sign3A_229 : i1 to i32
      %sign3A_231 = arith.subi %sign3A_227, %sign3A_230 : i32
      %sign3A_232 = arith.constant 0 : i32
      %sign3A_233 = arith.cmpi sgt, %jit3A_223, %sign3A_232 : i32
      %sign3A_234 = arith.extui %sign3A_233 : i1 to i32
      %sign3A_235 = arith.constant 0 : i32
      %sign3A_236 = arith.cmpi slt, %jit3A_223, %sign3A_235 : i32
      %sign3A_237 = arith.extui %sign3A_236 : i1 to i32
      %sign3A_238 = arith.subi %sign3A_234, %sign3A_237 : i32
      %ne3A_239 = arith.cmpi ne, %sign3A_231, %sign3A_238 : i32
      %rem3A_240 = arith.remsi %add3A_206, %jit3A_223 : i32
      %ne3A_241 = arith.constant 0 : i32
      %ne3A_242 = arith.cmpi ne, %rem3A_240, %ne3A_241 : i32
      %and3A_243 = arith.andi %ne3A_239, %ne3A_242 : i1
      %sub3A_244 = arith.constant 1 : i32
      %sub3A_245 = arith.subi %div3A_224, %sub3A_244 : i32
      %select_n3A_246 = arith.select %and3A_243, %sub3A_245, %div3A_224 : i32
      %mul3A_247 = arith.constant 3200 : i32
      %mul3A_248 = arith.muli %select_n3A_246, %mul3A_247 : i32
      %multiple_of3A_249 = tpu.assume_multiple %mul3A_248, 128 : i32
      %dma_start3A_250 = arith.constant 0 : i32
      %dma_start3A_251 = tpu.memref_slice %arg2[%select_n3A_222, %dma_start3A_250, %multiple_of3A_249] : memref<4x8x160000xf32, #tpu.memory_space<hbm>> -> memref<1x8x3200xf32, #tpu.memory_space<hbm>>
      %dma_start3A_252 = tpu.memref_squeeze %dma_start3A_251 : memref<1x8x3200xf32, #tpu.memory_space<hbm>> -> memref<8x3200xf32, #tpu.memory_space<hbm>>
      %dma_start3A_253 = arith.constant 0 : i32
      %dma_start3A_254 = tpu.memref_slice %arg2[%select_n3A_222, %dma_start3A_253, %multiple_of3A_249] : memref<4x8x160000xf32, #tpu.memory_space<hbm>> -> memref<1x8x3200xf32, #tpu.memory_space<hbm>>
      %dma_start3A_255 = tpu.memref_squeeze %dma_start3A_254 : memref<1x8x3200xf32, #tpu.memory_space<hbm>> -> memref<8x3200xf32, #tpu.memory_space<hbm>>
      tpu.enqueue_dma source(%dma_start3A_255 : memref<8x3200xf32, #tpu.memory_space<hbm>>) target(%arg7 : memref<8x3200xf32, #tpu.memory_space<vmem>>) target_semaphore(%arg11 : memref<!tpu.dma_semaphore, #tpu.memory_space<semaphore_mem>>)
      %dma_wait3A_256 = arith.constant 0 : i32
      %dma_wait3A_257 = tpu.memref_slice %arg2[%select_n3A_64, %dma_wait3A_256, %multiple_of3A_91] : memref<4x8x160000xf32, #tpu.memory_space<hbm>> -> memref<1x8x3200xf32, #tpu.memory_space<hbm>>
      %dma_wait3A_258 = tpu.memref_squeeze %dma_wait3A_257 : memref<1x8x3200xf32, #tpu.memory_space<hbm>> -> memref<8x3200xf32, #tpu.memory_space<hbm>>
      %dma_wait3A_259 = arith.constant 0 : i32
      %dma_wait3A_260 = tpu.memref_slice %arg2[%select_n3A_64, %dma_wait3A_259, %multiple_of3A_91] : memref<4x8x160000xf32, #tpu.memory_space<hbm>> -> memref<1x8x3200xf32, #tpu.memory_space<hbm>>
      %dma_wait3A_261 = tpu.memref_squeeze %dma_wait3A_260 : memref<1x8x3200xf32, #tpu.memory_space<hbm>> -> memref<8x3200xf32, #tpu.memory_space<hbm>>
      tpu.wait_dma2 semaphore(%arg9 : memref<!tpu.dma_semaphore, #tpu.memory_space<semaphore_mem>>) src(%dma_wait3A_261 : memref<8x3200xf32, #tpu.memory_space<hbm>>) dst(%arg5 : memref<8x3200xf32, #tpu.memory_space<vmem>>)
      %add3A_262 = arith.constant 28 : i32
      %add3A_263 = arith.addi %add3A, %add3A_262 : i32
      %jit3A_264 = arith.constant 4 : i32
      %eq3A_265 = arith.constant 0 : i32
      %eq3A_266 = arith.cmpi eq, %jit3A_264, %eq3A_265 : i32
      %jit3A_267 = arith.constant 1 : i32
      %select_n3A_268 = arith.select %eq3A_266, %jit3A_267, %jit3A_264 : i32
      %rem3A_269 = arith.remsi %add3A_263, %select_n3A_268 : i32
      %ne3A_270 = arith.constant 0 : i32
      %ne3A_271 = arith.cmpi ne, %rem3A_269, %ne3A_270 : i32
      %lt3A_272 = arith.constant 0 : i32
      %lt3A_273 = arith.cmpi slt, %rem3A_269, %lt3A_272 : i32
      %lt3A_274 = arith.constant 0 : i32
      %lt3A_275 = arith.cmpi slt, %select_n3A_268, %lt3A_274 : i32
      %ne3A_276 = arith.xori %lt3A_273, %lt3A_275 : i1
      %and3A_277 = arith.andi %ne3A_276, %ne3A_271 : i1
      %add3A_278 = arith.addi %rem3A_269, %select_n3A_268 : i32
      %select_n3A_279 = arith.select %and3A_277, %add3A_278, %rem3A_269 : i32
      %jit3A_280 = arith.constant 4 : i32
      %div3A_281 = arith.divsi %add3A_263, %jit3A_280 : i32
      %sign3A_282 = arith.constant 0 : i32
      %sign3A_283 = arith.cmpi sgt, %add3A_263, %sign3A_282 : i32
      %sign3A_284 = arith.extui %sign3A_283 : i1 to i32
      %sign3A_285 = arith.constant 0 : i32
      %sign3A_286 = arith.cmpi slt, %add3A_263, %sign3A_285 : i32
      %sign3A_287 = arith.extui %sign3A_286 : i1 to i32
      %sign3A_288 = arith.subi %sign3A_284, %sign3A_287 : i32
      %sign3A_289 = arith.constant 0 : i32
      %sign3A_290 = arith.cmpi sgt, %jit3A_280, %sign3A_289 : i32
      %sign3A_291 = arith.extui %sign3A_290 : i1 to i32
      %sign3A_292 = arith.constant 0 : i32
      %sign3A_293 = arith.cmpi slt, %jit3A_280, %sign3A_292 : i32
      %sign3A_294 = arith.extui %sign3A_293 : i1 to i32
      %sign3A_295 = arith.subi %sign3A_291, %sign3A_294 : i32
      %ne3A_296 = arith.cmpi ne, %sign3A_288, %sign3A_295 : i32
      %rem3A_297 = arith.remsi %add3A_263, %jit3A_280 : i32
      %ne3A_298 = arith.constant 0 : i32
      %ne3A_299 = arith.cmpi ne, %rem3A_297, %ne3A_298 : i32
      %and3A_300 = arith.andi %ne3A_296, %ne3A_299 : i1
      %sub3A_301 = arith.constant 1 : i32
      %sub3A_302 = arith.subi %div3A_281, %sub3A_301 : i32
      %select_n3A_303 = arith.select %and3A_300, %sub3A_302, %div3A_281 : i32
      %mul3A_304 = arith.constant 3200 : i32
      %mul3A_305 = arith.muli %select_n3A_303, %mul3A_304 : i32
      %multiple_of3A_306 = tpu.assume_multiple %mul3A_305, 128 : i32
      %dma_start3A_307 = arith.constant 0 : i32
      %dma_start3A_308 = tpu.memref_slice %arg3[%select_n3A_279, %dma_start3A_307, %multiple_of3A_306] : memref<4x8x160000xf32, #tpu.memory_space<hbm>> -> memref<1x8x3200xf32, #tpu.memory_space<hbm>>
      %dma_start3A_309 = tpu.memref_squeeze %dma_start3A_308 : memref<1x8x3200xf32, #tpu.memory_space<hbm>> -> memref<8x3200xf32, #tpu.memory_space<hbm>>
      %dma_start3A_310 = arith.constant 0 : i32
      %dma_start3A_311 = tpu.memref_slice %arg3[%select_n3A_279, %dma_start3A_310, %multiple_of3A_306] : memref<4x8x160000xf32, #tpu.memory_space<hbm>> -> memref<1x8x3200xf32, #tpu.memory_space<hbm>>
      %dma_start3A_312 = tpu.memref_squeeze %dma_start3A_311 : memref<1x8x3200xf32, #tpu.memory_space<hbm>> -> memref<8x3200xf32, #tpu.memory_space<hbm>>
      tpu.enqueue_dma source(%arg5 : memref<8x3200xf32, #tpu.memory_space<vmem>>) target(%dma_start3A_312 : memref<8x3200xf32, #tpu.memory_space<hbm>>) target_semaphore(%arg13 : memref<!tpu.dma_semaphore, #tpu.memory_space<semaphore_mem>>)
      %dma_wait3A_313 = arith.constant 0 : i32
      %dma_wait3A_314 = tpu.memref_slice %arg2[%select_n3A_115, %dma_wait3A_313, %multiple_of3A_142] : memref<4x8x160000xf32, #tpu.memory_space<hbm>> -> memref<1x8x3200xf32, #tpu.memory_space<hbm>>
      %dma_wait3A_315 = tpu.memref_squeeze %dma_wait3A_314 : memref<1x8x3200xf32, #tpu.memory_space<hbm>> -> memref<8x3200xf32, #tpu.memory_space<hbm>>
      %dma_wait3A_316 = arith.constant 0 : i32
      %dma_wait3A_317 = tpu.memref_slice %arg2[%select_n3A_115, %dma_wait3A_316, %multiple_of3A_142] : memref<4x8x160000xf32, #tpu.memory_space<hbm>> -> memref<1x8x3200xf32, #tpu.memory_space<hbm>>
      %dma_wait3A_318 = tpu.memref_squeeze %dma_wait3A_317 : memref<1x8x3200xf32, #tpu.memory_space<hbm>> -> memref<8x3200xf32, #tpu.memory_space<hbm>>
      tpu.wait_dma2 semaphore(%arg10 : memref<!tpu.dma_semaphore, #tpu.memory_space<semaphore_mem>>) src(%dma_wait3A_318 : memref<8x3200xf32, #tpu.memory_space<hbm>>) dst(%arg6 : memref<8x3200xf32, #tpu.memory_space<vmem>>)
      %add3A_319 = arith.constant 56 : i32
      %add3A_320 = arith.addi %add3A, %add3A_319 : i32
      %jit3A_321 = arith.constant 4 : i32
      %eq3A_322 = arith.constant 0 : i32
      %eq3A_323 = arith.cmpi eq, %jit3A_321, %eq3A_322 : i32
      %jit3A_324 = arith.constant 1 : i32
      %select_n3A_325 = arith.select %eq3A_323, %jit3A_324, %jit3A_321 : i32
      %rem3A_326 = arith.remsi %add3A_320, %select_n3A_325 : i32
      %ne3A_327 = arith.constant 0 : i32
      %ne3A_328 = arith.cmpi ne, %rem3A_326, %ne3A_327 : i32
      %lt3A_329 = arith.constant 0 : i32
      %lt3A_330 = arith.cmpi slt, %rem3A_326, %lt3A_329 : i32
      %lt3A_331 = arith.constant 0 : i32
      %lt3A_332 = arith.cmpi slt, %select_n3A_325, %lt3A_331 : i32
      %ne3A_333 = arith.xori %lt3A_330, %lt3A_332 : i1
      %and3A_334 = arith.andi %ne3A_333, %ne3A_328 : i1
      %add3A_335 = arith.addi %rem3A_326, %select_n3A_325 : i32
      %select_n3A_336 = arith.select %and3A_334, %add3A_335, %rem3A_326 : i32
      %jit3A_337 = arith.constant 4 : i32
      %div3A_338 = arith.divsi %add3A_320, %jit3A_337 : i32
      %sign3A_339 = arith.constant 0 : i32
      %sign3A_340 = arith.cmpi sgt, %add3A_320, %sign3A_339 : i32
      %sign3A_341 = arith.extui %sign3A_340 : i1 to i32
      %sign3A_342 = arith.constant 0 : i32
      %sign3A_343 = arith.cmpi slt, %add3A_320, %sign3A_342 : i32
      %sign3A_344 = arith.extui %sign3A_343 : i1 to i32
      %sign3A_345 = arith.subi %sign3A_341, %sign3A_344 : i32
      %sign3A_346 = arith.constant 0 : i32
      %sign3A_347 = arith.cmpi sgt, %jit3A_337, %sign3A_346 : i32
      %sign3A_348 = arith.extui %sign3A_347 : i1 to i32
      %sign3A_349 = arith.constant 0 : i32
      %sign3A_350 = arith.cmpi slt, %jit3A_337, %sign3A_349 : i32
      %sign3A_351 = arith.extui %sign3A_350 : i1 to i32
      %sign3A_352 = arith.subi %sign3A_348, %sign3A_351 : i32
      %ne3A_353 = arith.cmpi ne, %sign3A_345, %sign3A_352 : i32
      %rem3A_354 = arith.remsi %add3A_320, %jit3A_337 : i32
      %ne3A_355 = arith.constant 0 : i32
      %ne3A_356 = arith.cmpi ne, %rem3A_354, %ne3A_355 : i32
      %and3A_357 = arith.andi %ne3A_353, %ne3A_356 : i1
      %sub3A_358 = arith.constant 1 : i32
      %sub3A_359 = arith.subi %div3A_338, %sub3A_358 : i32
      %select_n3A_360 = arith.select %and3A_357, %sub3A_359, %div3A_338 : i32
      %mul3A_361 = arith.constant 3200 : i32
      %mul3A_362 = arith.muli %select_n3A_360, %mul3A_361 : i32
      %multiple_of3A_363 = tpu.assume_multiple %mul3A_362, 128 : i32
      %dma_start3A_364 = arith.constant 0 : i32
      %dma_start3A_365 = tpu.memref_slice %arg3[%select_n3A_336, %dma_start3A_364, %multiple_of3A_363] : memref<4x8x160000xf32, #tpu.memory_space<hbm>> -> memref<1x8x3200xf32, #tpu.memory_space<hbm>>
      %dma_start3A_366 = tpu.memref_squeeze %dma_start3A_365 : memref<1x8x3200xf32, #tpu.memory_space<hbm>> -> memref<8x3200xf32, #tpu.memory_space<hbm>>
      %dma_start3A_367 = arith.constant 0 : i32
      %dma_start3A_368 = tpu.memref_slice %arg3[%select_n3A_336, %dma_start3A_367, %multiple_of3A_363] : memref<4x8x160000xf32, #tpu.memory_space<hbm>> -> memref<1x8x3200xf32, #tpu.memory_space<hbm>>
      %dma_start3A_369 = tpu.memref_squeeze %dma_start3A_368 : memref<1x8x3200xf32, #tpu.memory_space<hbm>> -> memref<8x3200xf32, #tpu.memory_space<hbm>>
      tpu.enqueue_dma source(%arg6 : memref<8x3200xf32, #tpu.memory_space<vmem>>) target(%dma_start3A_369 : memref<8x3200xf32, #tpu.memory_space<hbm>>) target_semaphore(%arg14 : memref<!tpu.dma_semaphore, #tpu.memory_space<semaphore_mem>>)
      %dma_wait3A_370 = arith.constant 0 : i32
      %dma_wait3A_371 = tpu.memref_slice %arg2[%select_n3A_222, %dma_wait3A_370, %multiple_of3A_249] : memref<4x8x160000xf32, #tpu.memory_space<hbm>> -> memref<1x8x3200xf32, #tpu.memory_space<hbm>>
      %dma_wait3A_372 = tpu.memref_squeeze %dma_wait3A_371 : memref<1x8x3200xf32, #tpu.memory_space<hbm>> -> memref<8x3200xf32, #tpu.memory_space<hbm>>
      %dma_wait3A_373 = arith.constant 0 : i32
      %dma_wait3A_374 = tpu.memref_slice %arg2[%select_n3A_222, %dma_wait3A_373, %multiple_of3A_249] : memref<4x8x160000xf32, #tpu.memory_space<hbm>> -> memref<1x8x3200xf32, #tpu.memory_space<hbm>>
      %dma_wait3A_375 = tpu.memref_squeeze %dma_wait3A_374 : memref<1x8x3200xf32, #tpu.memory_space<hbm>> -> memref<8x3200xf32, #tpu.memory_space<hbm>>
      tpu.wait_dma2 semaphore(%arg11 : memref<!tpu.dma_semaphore, #tpu.memory_space<semaphore_mem>>) src(%dma_wait3A_375 : memref<8x3200xf32, #tpu.memory_space<hbm>>) dst(%arg7 : memref<8x3200xf32, #tpu.memory_space<vmem>>)
      %add3A_376 = arith.constant 84 : i32
      %add3A_377 = arith.addi %add3A, %add3A_376 : i32
      %jit3A_378 = arith.constant 4 : i32
      %eq3A_379 = arith.constant 0 : i32
      %eq3A_380 = arith.cmpi eq, %jit3A_378, %eq3A_379 : i32
      %jit3A_381 = arith.constant 1 : i32
      %select_n3A_382 = arith.select %eq3A_380, %jit3A_381, %jit3A_378 : i32
      %rem3A_383 = arith.remsi %add3A_377, %select_n3A_382 : i32
      %ne3A_384 = arith.constant 0 : i32
      %ne3A_385 = arith.cmpi ne, %rem3A_383, %ne3A_384 : i32
      %lt3A_386 = arith.constant 0 : i32
      %lt3A_387 = arith.cmpi slt, %rem3A_383, %lt3A_386 : i32
      %lt3A_388 = arith.constant 0 : i32
      %lt3A_389 = arith.cmpi slt, %select_n3A_382, %lt3A_388 : i32
      %ne3A_390 = arith.xori %lt3A_387, %lt3A_389 : i1
      %and3A_391 = arith.andi %ne3A_390, %ne3A_385 : i1
      %add3A_392 = arith.addi %rem3A_383, %select_n3A_382 : i32
      %select_n3A_393 = arith.select %and3A_391, %add3A_392, %rem3A_383 : i32
      %jit3A_394 = arith.constant 4 : i32
      %div3A_395 = arith.divsi %add3A_377, %jit3A_394 : i32
      %sign3A_396 = arith.constant 0 : i32
      %sign3A_397 = arith.cmpi sgt, %add3A_377, %sign3A_396 : i32
      %sign3A_398 = arith.extui %sign3A_397 : i1 to i32
      %sign3A_399 = arith.constant 0 : i32
      %sign3A_400 = arith.cmpi slt, %add3A_377, %sign3A_399 : i32
      %sign3A_401 = arith.extui %sign3A_400 : i1 to i32
      %sign3A_402 = arith.subi %sign3A_398, %sign3A_401 : i32
      %sign3A_403 = arith.constant 0 : i32
      %sign3A_404 = arith.cmpi sgt, %jit3A_394, %sign3A_403 : i32
      %sign3A_405 = arith.extui %sign3A_404 : i1 to i32
      %sign3A_406 = arith.constant 0 : i32
      %sign3A_407 = arith.cmpi slt, %jit3A_394, %sign3A_406 : i32
      %sign3A_408 = arith.extui %sign3A_407 : i1 to i32
      %sign3A_409 = arith.subi %sign3A_405, %sign3A_408 : i32
      %ne3A_410 = arith.cmpi ne, %sign3A_402, %sign3A_409 : i32
      %rem3A_411 = arith.remsi %add3A_377, %jit3A_394 : i32
      %ne3A_412 = arith.constant 0 : i32
      %ne3A_413 = arith.cmpi ne, %rem3A_411, %ne3A_412 : i32
      %and3A_414 = arith.andi %ne3A_410, %ne3A_413 : i1
      %sub3A_415 = arith.constant 1 : i32
      %sub3A_416 = arith.subi %div3A_395, %sub3A_415 : i32
      %select_n3A_417 = arith.select %and3A_414, %sub3A_416, %div3A_395 : i32
      %mul3A_418 = arith.constant 3200 : i32
      %mul3A_419 = arith.muli %select_n3A_417, %mul3A_418 : i32
      %multiple_of3A_420 = tpu.assume_multiple %mul3A_419, 128 : i32
      %dma_start3A_421 = arith.constant 0 : i32
      %dma_start3A_422 = tpu.memref_slice %arg3[%select_n3A_393, %dma_start3A_421, %multiple_of3A_420] : memref<4x8x160000xf32, #tpu.memory_space<hbm>> -> memref<1x8x3200xf32, #tpu.memory_space<hbm>>
      %dma_start3A_423 = tpu.memref_squeeze %dma_start3A_422 : memref<1x8x3200xf32, #tpu.memory_space<hbm>> -> memref<8x3200xf32, #tpu.memory_space<hbm>>
      %dma_start3A_424 = arith.constant 0 : i32
      %dma_start3A_425 = tpu.memref_slice %arg3[%select_n3A_393, %dma_start3A_424, %multiple_of3A_420] : memref<4x8x160000xf32, #tpu.memory_space<hbm>> -> memref<1x8x3200xf32, #tpu.memory_space<hbm>>
      %dma_start3A_426 = tpu.memref_squeeze %dma_start3A_425 : memref<1x8x3200xf32, #tpu.memory_space<hbm>> -> memref<8x3200xf32, #tpu.memory_space<hbm>>
      tpu.enqueue_dma source(%arg7 : memref<8x3200xf32, #tpu.memory_space<vmem>>) target(%dma_start3A_426 : memref<8x3200xf32, #tpu.memory_space<hbm>>) target_semaphore(%arg15 : memref<!tpu.dma_semaphore, #tpu.memory_space<semaphore_mem>>)
      %dma_wait3A_427 = arith.constant 0 : i32
      %dma_wait3A_428 = tpu.memref_slice %arg3[%select_n3A_171, %dma_wait3A_427, %multiple_of3A_198] : memref<4x8x160000xf32, #tpu.memory_space<hbm>> -> memref<1x8x3200xf32, #tpu.memory_space<hbm>>
      %dma_wait3A_429 = tpu.memref_squeeze %dma_wait3A_428 : memref<1x8x3200xf32, #tpu.memory_space<hbm>> -> memref<8x3200xf32, #tpu.memory_space<hbm>>
      %dma_wait3A_430 = arith.constant 0 : i32
      %dma_wait3A_431 = tpu.memref_slice %arg3[%select_n3A_171, %dma_wait3A_430, %multiple_of3A_198] : memref<4x8x160000xf32, #tpu.memory_space<hbm>> -> memref<1x8x3200xf32, #tpu.memory_space<hbm>>
      %dma_wait3A_432 = tpu.memref_squeeze %dma_wait3A_431 : memref<1x8x3200xf32, #tpu.memory_space<hbm>> -> memref<8x3200xf32, #tpu.memory_space<hbm>>
      tpu.wait_dma2 semaphore(%arg12 : memref<!tpu.dma_semaphore, #tpu.memory_space<semaphore_mem>>) src(%arg4 : memref<8x3200xf32, #tpu.memory_space<vmem>>) dst(%dma_wait3A_432 : memref<8x3200xf32, #tpu.memory_space<hbm>>)
      %dma_wait3A_433 = arith.constant 0 : i32
      %dma_wait3A_434 = tpu.memref_slice %arg3[%select_n3A_279, %dma_wait3A_433, %multiple_of3A_306] : memref<4x8x160000xf32, #tpu.memory_space<hbm>> -> memref<1x8x3200xf32, #tpu.memory_space<hbm>>
      %dma_wait3A_435 = tpu.memref_squeeze %dma_wait3A_434 : memref<1x8x3200xf32, #tpu.memory_space<hbm>> -> memref<8x3200xf32, #tpu.memory_space<hbm>>
      %dma_wait3A_436 = arith.constant 0 : i32
      %dma_wait3A_437 = tpu.memref_slice %arg3[%select_n3A_279, %dma_wait3A_436, %multiple_of3A_306] : memref<4x8x160000xf32, #tpu.memory_space<hbm>> -> memref<1x8x3200xf32, #tpu.memory_space<hbm>>
      %dma_wait3A_438 = tpu.memref_squeeze %dma_wait3A_437 : memref<1x8x3200xf32, #tpu.memory_space<hbm>> -> memref<8x3200xf32, #tpu.memory_space<hbm>>
      tpu.wait_dma2 semaphore(%arg13 : memref<!tpu.dma_semaphore, #tpu.memory_space<semaphore_mem>>) src(%arg5 : memref<8x3200xf32, #tpu.memory_space<vmem>>) dst(%dma_wait3A_438 : memref<8x3200xf32, #tpu.memory_space<hbm>>)
      %dma_wait3A_439 = arith.constant 0 : i32
      %dma_wait3A_440 = tpu.memref_slice %arg3[%select_n3A_336, %dma_wait3A_439, %multiple_of3A_363] : memref<4x8x160000xf32, #tpu.memory_space<hbm>> -> memref<1x8x3200xf32, #tpu.memory_space<hbm>>
      %dma_wait3A_441 = tpu.memref_squeeze %dma_wait3A_440 : memref<1x8x3200xf32, #tpu.memory_space<hbm>> -> memref<8x3200xf32, #tpu.memory_space<hbm>>
      %dma_wait3A_442 = arith.constant 0 : i32
      %dma_wait3A_443 = tpu.memref_slice %arg3[%select_n3A_336, %dma_wait3A_442, %multiple_of3A_363] : memref<4x8x160000xf32, #tpu.memory_space<hbm>> -> memref<1x8x3200xf32, #tpu.memory_space<hbm>>
      %dma_wait3A_444 = tpu.memref_squeeze %dma_wait3A_443 : memref<1x8x3200xf32, #tpu.memory_space<hbm>> -> memref<8x3200xf32, #tpu.memory_space<hbm>>
      tpu.wait_dma2 semaphore(%arg14 : memref<!tpu.dma_semaphore, #tpu.memory_space<semaphore_mem>>) src(%arg6 : memref<8x3200xf32, #tpu.memory_space<vmem>>) dst(%dma_wait3A_444 : memref<8x3200xf32, #tpu.memory_space<hbm>>)
      %dma_wait3A_445 = arith.constant 0 : i32
      %dma_wait3A_446 = tpu.memref_slice %arg3[%select_n3A_393, %dma_wait3A_445, %multiple_of3A_420] : memref<4x8x160000xf32, #tpu.memory_space<hbm>> -> memref<1x8x3200xf32, #tpu.memory_space<hbm>>
      %dma_wait3A_447 = tpu.memref_squeeze %dma_wait3A_446 : memref<1x8x3200xf32, #tpu.memory_space<hbm>> -> memref<8x3200xf32, #tpu.memory_space<hbm>>
      %dma_wait3A_448 = arith.constant 0 : i32
      %dma_wait3A_449 = tpu.memref_slice %arg3[%select_n3A_393, %dma_wait3A_448, %multiple_of3A_420] : memref<4x8x160000xf32, #tpu.memory_space<hbm>> -> memref<1x8x3200xf32, #tpu.memory_space<hbm>>
      %dma_wait3A_450 = tpu.memref_squeeze %dma_wait3A_449 : memref<1x8x3200xf32, #tpu.memory_space<hbm>> -> memref<8x3200xf32, #tpu.memory_space<hbm>>
      tpu.wait_dma2 semaphore(%arg15 : memref<!tpu.dma_semaphore, #tpu.memory_space<semaphore_mem>>) src(%arg7 : memref<8x3200xf32, #tpu.memory_space<vmem>>) dst(%dma_wait3A_450 : memref<8x3200xf32, #tpu.memory_space<hbm>>)
    } else {
    }
    %ge3A = arith.constant 14 : i32
    %ge3A_2 = arith.cmpi sge, %arg1, %ge3A : i32
    %convert_element_type3A_3 = arith.extui %ge3A_2 : i1 to i32
    %cond3A_4 = arith.constant 0 : i32
    %cond3A_5 = arith.cmpi ne, %convert_element_type3A_3, %cond3A_4 : i32
    scf.if %cond3A_5 {
      %sub3A = arith.constant 14 : i32
      %sub3A_6 = arith.subi %arg1, %sub3A : i32
      %add3A = arith.constant 0 : i32
      %add3A_7 = arith.addi %add3A, %sub3A_6 : i32
      %mul3A = arith.constant 2 : i32
      %mul3A_8 = arith.muli %mul3A, %arg0 : i32
      %jit3A = arith.constant 2 : i32
      %eq3A = arith.constant 0 : i32
      %eq3A_9 = arith.cmpi eq, %jit3A, %eq3A : i32
      %jit3A_10 = arith.constant 1 : i32
      %select_n3A = arith.select %eq3A_9, %jit3A_10, %jit3A : i32
      %rem3A = arith.remsi %add3A_7, %select_n3A : i32
      %ne3A = arith.constant 0 : i32
      %ne3A_11 = arith.cmpi ne, %rem3A, %ne3A : i32
      %lt3A_12 = arith.constant 0 : i32
      %lt3A_13 = arith.cmpi slt, %rem3A, %lt3A_12 : i32
      %lt3A_14 = arith.constant 0 : i32
      %lt3A_15 = arith.cmpi slt, %select_n3A, %lt3A_14 : i32
      %ne3A_16 = arith.xori %lt3A_13, %lt3A_15 : i1
      %and3A = arith.andi %ne3A_16, %ne3A_11 : i1
      %add3A_17 = arith.addi %rem3A, %select_n3A : i32
      %select_n3A_18 = arith.select %and3A, %add3A_17, %rem3A : i32
      %add3A_19 = arith.addi %mul3A_8, %select_n3A_18 : i32
      %jit3A_20 = arith.constant 2 : i32
      %div3A = arith.divsi %add3A_7, %jit3A_20 : i32
      %sign3A = arith.constant 0 : i32
      %sign3A_21 = arith.cmpi sgt, %add3A_7, %sign3A : i32
      %sign3A_22 = arith.extui %sign3A_21 : i1 to i32
      %sign3A_23 = arith.constant 0 : i32
      %sign3A_24 = arith.cmpi slt, %add3A_7, %sign3A_23 : i32
      %sign3A_25 = arith.extui %sign3A_24 : i1 to i32
      %sign3A_26 = arith.subi %sign3A_22, %sign3A_25 : i32
      %sign3A_27 = arith.constant 0 : i32
      %sign3A_28 = arith.cmpi sgt, %jit3A_20, %sign3A_27 : i32
      %sign3A_29 = arith.extui %sign3A_28 : i1 to i32
      %sign3A_30 = arith.constant 0 : i32
      %sign3A_31 = arith.cmpi slt, %jit3A_20, %sign3A_30 : i32
      %sign3A_32 = arith.extui %sign3A_31 : i1 to i32
      %sign3A_33 = arith.subi %sign3A_29, %sign3A_32 : i32
      %ne3A_34 = arith.cmpi ne, %sign3A_26, %sign3A_33 : i32
      %rem3A_35 = arith.remsi %add3A_7, %jit3A_20 : i32
      %ne3A_36 = arith.constant 0 : i32
      %ne3A_37 = arith.cmpi ne, %rem3A_35, %ne3A_36 : i32
      %and3A_38 = arith.andi %ne3A_34, %ne3A_37 : i1
      %sub3A_39 = arith.constant 1 : i32
      %sub3A_40 = arith.subi %div3A, %sub3A_39 : i32
      %select_n3A_41 = arith.select %and3A_38, %sub3A_40, %div3A : i32
      %mul3A_42 = arith.constant 6400 : i32
      %mul3A_43 = arith.muli %select_n3A_41, %mul3A_42 : i32
      %add3A_44 = arith.constant 89600 : i32
      %add3A_45 = arith.addi %add3A_44, %mul3A_43 : i32
      %multiple_of3A = tpu.assume_multiple %add3A_45, 128 : i32
      %dma_start3A = arith.constant 0 : i32
      %dma_start3A_46 = arith.constant 0 : i32
      %dma_start3A_47 = tpu.memref_slice %arg16[%sub3A_6, %dma_start3A, %dma_start3A_46] : memref<2x8x6400xf32, #tpu.memory_space<vmem_shared>> -> memref<1x8x6400xf32, #tpu.memory_space<vmem_shared>>
      %dma_start3A_48 = tpu.memref_squeeze %dma_start3A_47 : memref<1x8x6400xf32, #tpu.memory_space<vmem_shared>> -> memref<8x6400xf32, #tpu.memory_space<vmem_shared>>
      %dma_start3A_49 = arith.constant 0 : i32
      %dma_start3A_50 = tpu.memref_slice %arg2[%add3A_19, %dma_start3A_49, %multiple_of3A] : memref<4x8x160000xf32, #tpu.memory_space<hbm>> -> memref<1x8x6400xf32, #tpu.memory_space<hbm>>
      %dma_start3A_51 = tpu.memref_squeeze %dma_start3A_50 : memref<1x8x6400xf32, #tpu.memory_space<hbm>> -> memref<8x6400xf32, #tpu.memory_space<hbm>>
      tpu.enqueue_dma source(%dma_start3A_51 : memref<8x6400xf32, #tpu.memory_space<hbm>>) target(%dma_start3A_48 : memref<8x6400xf32, #tpu.memory_space<vmem_shared>>) target_semaphore(%arg19 : memref<!tpu.dma_semaphore, #tpu.memory_space<semaphore_mem>>)
      %add3A_52 = arith.constant 2 : i32
      %add3A_53 = arith.addi %add3A_52, %sub3A_6 : i32
      %mul3A_54 = arith.constant 2 : i32
      %mul3A_55 = arith.muli %mul3A_54, %arg0 : i32
      %jit3A_56 = arith.constant 2 : i32
      %eq3A_57 = arith.constant 0 : i32
      %eq3A_58 = arith.cmpi eq, %jit3A_56, %eq3A_57 : i32
      %jit3A_59 = arith.constant 1 : i32
      %select_n3A_60 = arith.select %eq3A_58, %jit3A_59, %jit3A_56 : i32
      %rem3A_61 = arith.remsi %add3A_53, %select_n3A_60 : i32
      %ne3A_62 = arith.constant 0 : i32
      %ne3A_63 = arith.cmpi ne, %rem3A_61, %ne3A_62 : i32
      %lt3A_64 = arith.constant 0 : i32
      %lt3A_65 = arith.cmpi slt, %rem3A_61, %lt3A_64 : i32
      %lt3A_66 = arith.constant 0 : i32
      %lt3A_67 = arith.cmpi slt, %select_n3A_60, %lt3A_66 : i32
      %ne3A_68 = arith.xori %lt3A_65, %lt3A_67 : i1
      %and3A_69 = arith.andi %ne3A_68, %ne3A_63 : i1
      %add3A_70 = arith.addi %rem3A_61, %select_n3A_60 : i32
      %select_n3A_71 = arith.select %and3A_69, %add3A_70, %rem3A_61 : i32
      %add3A_72 = arith.addi %mul3A_55, %select_n3A_71 : i32
      %jit3A_73 = arith.constant 2 : i32
      %div3A_74 = arith.divsi %add3A_53, %jit3A_73 : i32
      %sign3A_75 = arith.constant 0 : i32
      %sign3A_76 = arith.cmpi sgt, %add3A_53, %sign3A_75 : i32
      %sign3A_77 = arith.extui %sign3A_76 : i1 to i32
      %sign3A_78 = arith.constant 0 : i32
      %sign3A_79 = arith.cmpi slt, %add3A_53, %sign3A_78 : i32
      %sign3A_80 = arith.extui %sign3A_79 : i1 to i32
      %sign3A_81 = arith.subi %sign3A_77, %sign3A_80 : i32
      %sign3A_82 = arith.constant 0 : i32
      %sign3A_83 = arith.cmpi sgt, %jit3A_73, %sign3A_82 : i32
      %sign3A_84 = arith.extui %sign3A_83 : i1 to i32
      %sign3A_85 = arith.constant 0 : i32
      %sign3A_86 = arith.cmpi slt, %jit3A_73, %sign3A_85 : i32
      %sign3A_87 = arith.extui %sign3A_86 : i1 to i32
      %sign3A_88 = arith.subi %sign3A_84, %sign3A_87 : i32
      %ne3A_89 = arith.cmpi ne, %sign3A_81, %sign3A_88 : i32
      %rem3A_90 = arith.remsi %add3A_53, %jit3A_73 : i32
      %ne3A_91 = arith.constant 0 : i32
      %ne3A_92 = arith.cmpi ne, %rem3A_90, %ne3A_91 : i32
      %and3A_93 = arith.andi %ne3A_89, %ne3A_92 : i1
      %sub3A_94 = arith.constant 1 : i32
      %sub3A_95 = arith.subi %div3A_74, %sub3A_94 : i32
      %select_n3A_96 = arith.select %and3A_93, %sub3A_95, %div3A_74 : i32
      %mul3A_97 = arith.constant 6400 : i32
      %mul3A_98 = arith.muli %select_n3A_96, %mul3A_97 : i32
      %add3A_99 = arith.constant 89600 : i32
      %add3A_100 = arith.addi %add3A_99, %mul3A_98 : i32
      %multiple_of3A_101 = tpu.assume_multiple %add3A_100, 128 : i32
      %dma_start3A_102 = arith.constant 0 : i32
      %dma_start3A_103 = arith.constant 0 : i32
      %dma_start3A_104 = tpu.memref_slice %arg17[%sub3A_6, %dma_start3A_102, %dma_start3A_103] : memref<2x8x6400xf32, #tpu.memory_space<vmem_shared>> -> memref<1x8x6400xf32, #tpu.memory_space<vmem_shared>>
      %dma_start3A_105 = tpu.memref_squeeze %dma_start3A_104 : memref<1x8x6400xf32, #tpu.memory_space<vmem_shared>> -> memref<8x6400xf32, #tpu.memory_space<vmem_shared>>
      %dma_start3A_106 = arith.constant 0 : i32
      %dma_start3A_107 = tpu.memref_slice %arg2[%add3A_72, %dma_start3A_106, %multiple_of3A_101] : memref<4x8x160000xf32, #tpu.memory_space<hbm>> -> memref<1x8x6400xf32, #tpu.memory_space<hbm>>
      %dma_start3A_108 = tpu.memref_squeeze %dma_start3A_107 : memref<1x8x6400xf32, #tpu.memory_space<hbm>> -> memref<8x6400xf32, #tpu.memory_space<hbm>>
      tpu.enqueue_dma source(%dma_start3A_108 : memref<8x6400xf32, #tpu.memory_space<hbm>>) target(%dma_start3A_105 : memref<8x6400xf32, #tpu.memory_space<vmem_shared>>) target_semaphore(%arg20 : memref<!tpu.dma_semaphore, #tpu.memory_space<semaphore_mem>>)
      %dma_wait3A = arith.constant 0 : i32
      %dma_wait3A_109 = arith.constant 0 : i32
      %dma_wait3A_110 = tpu.memref_slice %arg16[%sub3A_6, %dma_wait3A, %dma_wait3A_109] : memref<2x8x6400xf32, #tpu.memory_space<vmem_shared>> -> memref<1x8x6400xf32, #tpu.memory_space<vmem_shared>>
      %dma_wait3A_111 = tpu.memref_squeeze %dma_wait3A_110 : memref<1x8x6400xf32, #tpu.memory_space<vmem_shared>> -> memref<8x6400xf32, #tpu.memory_space<vmem_shared>>
      %dma_wait3A_112 = arith.constant 0 : i32
      %dma_wait3A_113 = tpu.memref_slice %arg2[%add3A_19, %dma_wait3A_112, %multiple_of3A] : memref<4x8x160000xf32, #tpu.memory_space<hbm>> -> memref<1x8x6400xf32, #tpu.memory_space<hbm>>
      %dma_wait3A_114 = tpu.memref_squeeze %dma_wait3A_113 : memref<1x8x6400xf32, #tpu.memory_space<hbm>> -> memref<8x6400xf32, #tpu.memory_space<hbm>>
      tpu.wait_dma2 semaphore(%arg19 : memref<!tpu.dma_semaphore, #tpu.memory_space<semaphore_mem>>) src(%dma_wait3A_114 : memref<8x6400xf32, #tpu.memory_space<hbm>>) dst(%dma_wait3A_111 : memref<8x6400xf32, #tpu.memory_space<vmem_shared>>)
      %add3A_115 = arith.constant 0 : i32
      %add3A_116 = arith.addi %add3A_115, %sub3A_6 : i32
      %mul3A_117 = arith.constant 2 : i32
      %mul3A_118 = arith.muli %mul3A_117, %arg0 : i32
      %jit3A_119 = arith.constant 2 : i32
      %eq3A_120 = arith.constant 0 : i32
      %eq3A_121 = arith.cmpi eq, %jit3A_119, %eq3A_120 : i32
      %jit3A_122 = arith.constant 1 : i32
      %select_n3A_123 = arith.select %eq3A_121, %jit3A_122, %jit3A_119 : i32
      %rem3A_124 = arith.remsi %add3A_116, %select_n3A_123 : i32
      %ne3A_125 = arith.constant 0 : i32
      %ne3A_126 = arith.cmpi ne, %rem3A_124, %ne3A_125 : i32
      %lt3A_127 = arith.constant 0 : i32
      %lt3A_128 = arith.cmpi slt, %rem3A_124, %lt3A_127 : i32
      %lt3A_129 = arith.constant 0 : i32
      %lt3A_130 = arith.cmpi slt, %select_n3A_123, %lt3A_129 : i32
      %ne3A_131 = arith.xori %lt3A_128, %lt3A_130 : i1
      %and3A_132 = arith.andi %ne3A_131, %ne3A_126 : i1
      %add3A_133 = arith.addi %rem3A_124, %select_n3A_123 : i32
      %select_n3A_134 = arith.select %and3A_132, %add3A_133, %rem3A_124 : i32
      %add3A_135 = arith.addi %mul3A_118, %select_n3A_134 : i32
      %jit3A_136 = arith.constant 2 : i32
      %div3A_137 = arith.divsi %add3A_116, %jit3A_136 : i32
      %sign3A_138 = arith.constant 0 : i32
      %sign3A_139 = arith.cmpi sgt, %add3A_116, %sign3A_138 : i32
      %sign3A_140 = arith.extui %sign3A_139 : i1 to i32
      %sign3A_141 = arith.constant 0 : i32
      %sign3A_142 = arith.cmpi slt, %add3A_116, %sign3A_141 : i32
      %sign3A_143 = arith.extui %sign3A_142 : i1 to i32
      %sign3A_144 = arith.subi %sign3A_140, %sign3A_143 : i32
      %sign3A_145 = arith.constant 0 : i32
      %sign3A_146 = arith.cmpi sgt, %jit3A_136, %sign3A_145 : i32
      %sign3A_147 = arith.extui %sign3A_146 : i1 to i32
      %sign3A_148 = arith.constant 0 : i32
      %sign3A_149 = arith.cmpi slt, %jit3A_136, %sign3A_148 : i32
      %sign3A_150 = arith.extui %sign3A_149 : i1 to i32
      %sign3A_151 = arith.subi %sign3A_147, %sign3A_150 : i32
      %ne3A_152 = arith.cmpi ne, %sign3A_144, %sign3A_151 : i32
      %rem3A_153 = arith.remsi %add3A_116, %jit3A_136 : i32
      %ne3A_154 = arith.constant 0 : i32
      %ne3A_155 = arith.cmpi ne, %rem3A_153, %ne3A_154 : i32
      %and3A_156 = arith.andi %ne3A_152, %ne3A_155 : i1
      %sub3A_157 = arith.constant 1 : i32
      %sub3A_158 = arith.subi %div3A_137, %sub3A_157 : i32
      %select_n3A_159 = arith.select %and3A_156, %sub3A_158, %div3A_137 : i32
      %mul3A_160 = arith.constant 6400 : i32
      %mul3A_161 = arith.muli %select_n3A_159, %mul3A_160 : i32
      %add3A_162 = arith.constant 89600 : i32
      %add3A_163 = arith.addi %add3A_162, %mul3A_161 : i32
      %multiple_of3A_164 = tpu.assume_multiple %add3A_163, 128 : i32
      %dma_start3A_165 = arith.constant 0 : i32
      %dma_start3A_166 = tpu.memref_slice %arg3[%add3A_135, %dma_start3A_165, %multiple_of3A_164] : memref<4x8x160000xf32, #tpu.memory_space<hbm>> -> memref<1x8x6400xf32, #tpu.memory_space<hbm>>
      %dma_start3A_167 = tpu.memref_squeeze %dma_start3A_166 : memref<1x8x6400xf32, #tpu.memory_space<hbm>> -> memref<8x6400xf32, #tpu.memory_space<hbm>>
      %dma_start3A_168 = arith.constant 0 : i32
      %dma_start3A_169 = arith.constant 0 : i32
      %dma_start3A_170 = tpu.memref_slice %arg16[%sub3A_6, %dma_start3A_168, %dma_start3A_169] : memref<2x8x6400xf32, #tpu.memory_space<vmem_shared>> -> memref<1x8x6400xf32, #tpu.memory_space<vmem_shared>>
      %dma_start3A_171 = tpu.memref_squeeze %dma_start3A_170 : memref<1x8x6400xf32, #tpu.memory_space<vmem_shared>> -> memref<8x6400xf32, #tpu.memory_space<vmem_shared>>
      tpu.enqueue_dma source(%dma_start3A_171 : memref<8x6400xf32, #tpu.memory_space<vmem_shared>>) target(%dma_start3A_167 : memref<8x6400xf32, #tpu.memory_space<hbm>>) target_semaphore(%arg22 : memref<!tpu.dma_semaphore, #tpu.memory_space<semaphore_mem>>)
      %add3A_172 = arith.constant 4 : i32
      %add3A_173 = arith.addi %add3A_172, %sub3A_6 : i32
      %mul3A_174 = arith.constant 2 : i32
      %mul3A_175 = arith.muli %mul3A_174, %arg0 : i32
      %jit3A_176 = arith.constant 2 : i32
      %eq3A_177 = arith.constant 0 : i32
      %eq3A_178 = arith.cmpi eq, %jit3A_176, %eq3A_177 : i32
      %jit3A_179 = arith.constant 1 : i32
      %select_n3A_180 = arith.select %eq3A_178, %jit3A_179, %jit3A_176 : i32
      %rem3A_181 = arith.remsi %add3A_173, %select_n3A_180 : i32
      %ne3A_182 = arith.constant 0 : i32
      %ne3A_183 = arith.cmpi ne, %rem3A_181, %ne3A_182 : i32
      %lt3A_184 = arith.constant 0 : i32
      %lt3A_185 = arith.cmpi slt, %rem3A_181, %lt3A_184 : i32
      %lt3A_186 = arith.constant 0 : i32
      %lt3A_187 = arith.cmpi slt, %select_n3A_180, %lt3A_186 : i32
      %ne3A_188 = arith.xori %lt3A_185, %lt3A_187 : i1
      %and3A_189 = arith.andi %ne3A_188, %ne3A_183 : i1
      %add3A_190 = arith.addi %rem3A_181, %select_n3A_180 : i32
      %select_n3A_191 = arith.select %and3A_189, %add3A_190, %rem3A_181 : i32
      %add3A_192 = arith.addi %mul3A_175, %select_n3A_191 : i32
      %jit3A_193 = arith.constant 2 : i32
      %div3A_194 = arith.divsi %add3A_173, %jit3A_193 : i32
      %sign3A_195 = arith.constant 0 : i32
      %sign3A_196 = arith.cmpi sgt, %add3A_173, %sign3A_195 : i32
      %sign3A_197 = arith.extui %sign3A_196 : i1 to i32
      %sign3A_198 = arith.constant 0 : i32
      %sign3A_199 = arith.cmpi slt, %add3A_173, %sign3A_198 : i32
      %sign3A_200 = arith.extui %sign3A_199 : i1 to i32
      %sign3A_201 = arith.subi %sign3A_197, %sign3A_200 : i32
      %sign3A_202 = arith.constant 0 : i32
      %sign3A_203 = arith.cmpi sgt, %jit3A_193, %sign3A_202 : i32
      %sign3A_204 = arith.extui %sign3A_203 : i1 to i32
      %sign3A_205 = arith.constant 0 : i32
      %sign3A_206 = arith.cmpi slt, %jit3A_193, %sign3A_205 : i32
      %sign3A_207 = arith.extui %sign3A_206 : i1 to i32
      %sign3A_208 = arith.subi %sign3A_204, %sign3A_207 : i32
      %ne3A_209 = arith.cmpi ne, %sign3A_201, %sign3A_208 : i32
      %rem3A_210 = arith.remsi %add3A_173, %jit3A_193 : i32
      %ne3A_211 = arith.constant 0 : i32
      %ne3A_212 = arith.cmpi ne, %rem3A_210, %ne3A_211 : i32
      %and3A_213 = arith.andi %ne3A_209, %ne3A_212 : i1
      %sub3A_214 = arith.constant 1 : i32
      %sub3A_215 = arith.subi %div3A_194, %sub3A_214 : i32
      %select_n3A_216 = arith.select %and3A_213, %sub3A_215, %div3A_194 : i32
      %mul3A_217 = arith.constant 6400 : i32
      %mul3A_218 = arith.muli %select_n3A_216, %mul3A_217 : i32
      %add3A_219 = arith.constant 89600 : i32
      %add3A_220 = arith.addi %add3A_219, %mul3A_218 : i32
      %multiple_of3A_221 = tpu.assume_multiple %add3A_220, 128 : i32
      %dma_start3A_222 = arith.constant 0 : i32
      %dma_start3A_223 = arith.constant 0 : i32
      %dma_start3A_224 = tpu.memref_slice %arg18[%sub3A_6, %dma_start3A_222, %dma_start3A_223] : memref<2x8x6400xf32, #tpu.memory_space<vmem_shared>> -> memref<1x8x6400xf32, #tpu.memory_space<vmem_shared>>
      %dma_start3A_225 = tpu.memref_squeeze %dma_start3A_224 : memref<1x8x6400xf32, #tpu.memory_space<vmem_shared>> -> memref<8x6400xf32, #tpu.memory_space<vmem_shared>>
      %dma_start3A_226 = arith.constant 0 : i32
      %dma_start3A_227 = tpu.memref_slice %arg2[%add3A_192, %dma_start3A_226, %multiple_of3A_221] : memref<4x8x160000xf32, #tpu.memory_space<hbm>> -> memref<1x8x6400xf32, #tpu.memory_space<hbm>>
      %dma_start3A_228 = tpu.memref_squeeze %dma_start3A_227 : memref<1x8x6400xf32, #tpu.memory_space<hbm>> -> memref<8x6400xf32, #tpu.memory_space<hbm>>
      tpu.enqueue_dma source(%dma_start3A_228 : memref<8x6400xf32, #tpu.memory_space<hbm>>) target(%dma_start3A_225 : memref<8x6400xf32, #tpu.memory_space<vmem_shared>>) target_semaphore(%arg21 : memref<!tpu.dma_semaphore, #tpu.memory_space<semaphore_mem>>)
      %dma_wait3A_229 = arith.constant 0 : i32
      %dma_wait3A_230 = arith.constant 0 : i32
      %dma_wait3A_231 = tpu.memref_slice %arg17[%sub3A_6, %dma_wait3A_229, %dma_wait3A_230] : memref<2x8x6400xf32, #tpu.memory_space<vmem_shared>> -> memref<1x8x6400xf32, #tpu.memory_space<vmem_shared>>
      %dma_wait3A_232 = tpu.memref_squeeze %dma_wait3A_231 : memref<1x8x6400xf32, #tpu.memory_space<vmem_shared>> -> memref<8x6400xf32, #tpu.memory_space<vmem_shared>>
      %dma_wait3A_233 = arith.constant 0 : i32
      %dma_wait3A_234 = tpu.memref_slice %arg2[%add3A_72, %dma_wait3A_233, %multiple_of3A_101] : memref<4x8x160000xf32, #tpu.memory_space<hbm>> -> memref<1x8x6400xf32, #tpu.memory_space<hbm>>
      %dma_wait3A_235 = tpu.memref_squeeze %dma_wait3A_234 : memref<1x8x6400xf32, #tpu.memory_space<hbm>> -> memref<8x6400xf32, #tpu.memory_space<hbm>>
      tpu.wait_dma2 semaphore(%arg20 : memref<!tpu.dma_semaphore, #tpu.memory_space<semaphore_mem>>) src(%dma_wait3A_235 : memref<8x6400xf32, #tpu.memory_space<hbm>>) dst(%dma_wait3A_232 : memref<8x6400xf32, #tpu.memory_space<vmem_shared>>)
      %add3A_236 = arith.constant 2 : i32
      %add3A_237 = arith.addi %add3A_236, %sub3A_6 : i32
      %mul3A_238 = arith.constant 2 : i32
      %mul3A_239 = arith.muli %mul3A_238, %arg0 : i32
      %jit3A_240 = arith.constant 2 : i32
      %eq3A_241 = arith.constant 0 : i32
      %eq3A_242 = arith.cmpi eq, %jit3A_240, %eq3A_241 : i32
      %jit3A_243 = arith.constant 1 : i32
      %select_n3A_244 = arith.select %eq3A_242, %jit3A_243, %jit3A_240 : i32
      %rem3A_245 = arith.remsi %add3A_237, %select_n3A_244 : i32
      %ne3A_246 = arith.constant 0 : i32
      %ne3A_247 = arith.cmpi ne, %rem3A_245, %ne3A_246 : i32
      %lt3A_248 = arith.constant 0 : i32
      %lt3A_249 = arith.cmpi slt, %rem3A_245, %lt3A_248 : i32
      %lt3A_250 = arith.constant 0 : i32
      %lt3A_251 = arith.cmpi slt, %select_n3A_244, %lt3A_250 : i32
      %ne3A_252 = arith.xori %lt3A_249, %lt3A_251 : i1
      %and3A_253 = arith.andi %ne3A_252, %ne3A_247 : i1
      %add3A_254 = arith.addi %rem3A_245, %select_n3A_244 : i32
      %select_n3A_255 = arith.select %and3A_253, %add3A_254, %rem3A_245 : i32
      %add3A_256 = arith.addi %mul3A_239, %select_n3A_255 : i32
      %jit3A_257 = arith.constant 2 : i32
      %div3A_258 = arith.divsi %add3A_237, %jit3A_257 : i32
      %sign3A_259 = arith.constant 0 : i32
      %sign3A_260 = arith.cmpi sgt, %add3A_237, %sign3A_259 : i32
      %sign3A_261 = arith.extui %sign3A_260 : i1 to i32
      %sign3A_262 = arith.constant 0 : i32
      %sign3A_263 = arith.cmpi slt, %add3A_237, %sign3A_262 : i32
      %sign3A_264 = arith.extui %sign3A_263 : i1 to i32
      %sign3A_265 = arith.subi %sign3A_261, %sign3A_264 : i32
      %sign3A_266 = arith.constant 0 : i32
      %sign3A_267 = arith.cmpi sgt, %jit3A_257, %sign3A_266 : i32
      %sign3A_268 = arith.extui %sign3A_267 : i1 to i32
      %sign3A_269 = arith.constant 0 : i32
      %sign3A_270 = arith.cmpi slt, %jit3A_257, %sign3A_269 : i32
      %sign3A_271 = arith.extui %sign3A_270 : i1 to i32
      %sign3A_272 = arith.subi %sign3A_268, %sign3A_271 : i32
      %ne3A_273 = arith.cmpi ne, %sign3A_265, %sign3A_272 : i32
      %rem3A_274 = arith.remsi %add3A_237, %jit3A_257 : i32
      %ne3A_275 = arith.constant 0 : i32
      %ne3A_276 = arith.cmpi ne, %rem3A_274, %ne3A_275 : i32
      %and3A_277 = arith.andi %ne3A_273, %ne3A_276 : i1
      %sub3A_278 = arith.constant 1 : i32
      %sub3A_279 = arith.subi %div3A_258, %sub3A_278 : i32
      %select_n3A_280 = arith.select %and3A_277, %sub3A_279, %div3A_258 : i32
      %mul3A_281 = arith.constant 6400 : i32
      %mul3A_282 = arith.muli %select_n3A_280, %mul3A_281 : i32
      %add3A_283 = arith.constant 89600 : i32
      %add3A_284 = arith.addi %add3A_283, %mul3A_282 : i32
      %multiple_of3A_285 = tpu.assume_multiple %add3A_284, 128 : i32
      %dma_start3A_286 = arith.constant 0 : i32
      %dma_start3A_287 = tpu.memref_slice %arg3[%add3A_256, %dma_start3A_286, %multiple_of3A_285] : memref<4x8x160000xf32, #tpu.memory_space<hbm>> -> memref<1x8x6400xf32, #tpu.memory_space<hbm>>
      %dma_start3A_288 = tpu.memref_squeeze %dma_start3A_287 : memref<1x8x6400xf32, #tpu.memory_space<hbm>> -> memref<8x6400xf32, #tpu.memory_space<hbm>>
      %dma_start3A_289 = arith.constant 0 : i32
      %dma_start3A_290 = arith.constant 0 : i32
      %dma_start3A_291 = tpu.memref_slice %arg17[%sub3A_6, %dma_start3A_289, %dma_start3A_290] : memref<2x8x6400xf32, #tpu.memory_space<vmem_shared>> -> memref<1x8x6400xf32, #tpu.memory_space<vmem_shared>>
      %dma_start3A_292 = tpu.memref_squeeze %dma_start3A_291 : memref<1x8x6400xf32, #tpu.memory_space<vmem_shared>> -> memref<8x6400xf32, #tpu.memory_space<vmem_shared>>
      tpu.enqueue_dma source(%dma_start3A_292 : memref<8x6400xf32, #tpu.memory_space<vmem_shared>>) target(%dma_start3A_288 : memref<8x6400xf32, #tpu.memory_space<hbm>>) target_semaphore(%arg23 : memref<!tpu.dma_semaphore, #tpu.memory_space<semaphore_mem>>)
      %dma_wait3A_293 = arith.constant 0 : i32
      %dma_wait3A_294 = tpu.memref_slice %arg3[%add3A_135, %dma_wait3A_293, %multiple_of3A_164] : memref<4x8x160000xf32, #tpu.memory_space<hbm>> -> memref<1x8x6400xf32, #tpu.memory_space<hbm>>
      %dma_wait3A_295 = tpu.memref_squeeze %dma_wait3A_294 : memref<1x8x6400xf32, #tpu.memory_space<hbm>> -> memref<8x6400xf32, #tpu.memory_space<hbm>>
      %dma_wait3A_296 = arith.constant 0 : i32
      %dma_wait3A_297 = arith.constant 0 : i32
      %dma_wait3A_298 = tpu.memref_slice %arg16[%sub3A_6, %dma_wait3A_296, %dma_wait3A_297] : memref<2x8x6400xf32, #tpu.memory_space<vmem_shared>> -> memref<1x8x6400xf32, #tpu.memory_space<vmem_shared>>
      %dma_wait3A_299 = tpu.memref_squeeze %dma_wait3A_298 : memref<1x8x6400xf32, #tpu.memory_space<vmem_shared>> -> memref<8x6400xf32, #tpu.memory_space<vmem_shared>>
      tpu.wait_dma2 semaphore(%arg22 : memref<!tpu.dma_semaphore, #tpu.memory_space<semaphore_mem>>) src(%dma_wait3A_299 : memref<8x6400xf32, #tpu.memory_space<vmem_shared>>) dst(%dma_wait3A_295 : memref<8x6400xf32, #tpu.memory_space<hbm>>)
      %add3A_300 = arith.constant 6 : i32
      %add3A_301 = arith.addi %add3A_300, %sub3A_6 : i32
      %mul3A_302 = arith.constant 2 : i32
      %mul3A_303 = arith.muli %mul3A_302, %arg0 : i32
      %jit3A_304 = arith.constant 2 : i32
      %eq3A_305 = arith.constant 0 : i32
      %eq3A_306 = arith.cmpi eq, %jit3A_304, %eq3A_305 : i32
      %jit3A_307 = arith.constant 1 : i32
      %select_n3A_308 = arith.select %eq3A_306, %jit3A_307, %jit3A_304 : i32
      %rem3A_309 = arith.remsi %add3A_301, %select_n3A_308 : i32
      %ne3A_310 = arith.constant 0 : i32
      %ne3A_311 = arith.cmpi ne, %rem3A_309, %ne3A_310 : i32
      %lt3A_312 = arith.constant 0 : i32
      %lt3A_313 = arith.cmpi slt, %rem3A_309, %lt3A_312 : i32
      %lt3A_314 = arith.constant 0 : i32
      %lt3A_315 = arith.cmpi slt, %select_n3A_308, %lt3A_314 : i32
      %ne3A_316 = arith.xori %lt3A_313, %lt3A_315 : i1
      %and3A_317 = arith.andi %ne3A_316, %ne3A_311 : i1
      %add3A_318 = arith.addi %rem3A_309, %select_n3A_308 : i32
      %select_n3A_319 = arith.select %and3A_317, %add3A_318, %rem3A_309 : i32
      %add3A_320 = arith.addi %mul3A_303, %select_n3A_319 : i32
      %jit3A_321 = arith.constant 2 : i32
      %div3A_322 = arith.divsi %add3A_301, %jit3A_321 : i32
      %sign3A_323 = arith.constant 0 : i32
      %sign3A_324 = arith.cmpi sgt, %add3A_301, %sign3A_323 : i32
      %sign3A_325 = arith.extui %sign3A_324 : i1 to i32
      %sign3A_326 = arith.constant 0 : i32
      %sign3A_327 = arith.cmpi slt, %add3A_301, %sign3A_326 : i32
      %sign3A_328 = arith.extui %sign3A_327 : i1 to i32
      %sign3A_329 = arith.subi %sign3A_325, %sign3A_328 : i32
      %sign3A_330 = arith.constant 0 : i32
      %sign3A_331 = arith.cmpi sgt, %jit3A_321, %sign3A_330 : i32
      %sign3A_332 = arith.extui %sign3A_331 : i1 to i32
      %sign3A_333 = arith.constant 0 : i32
      %sign3A_334 = arith.cmpi slt, %jit3A_321, %sign3A_333 : i32
      %sign3A_335 = arith.extui %sign3A_334 : i1 to i32
      %sign3A_336 = arith.subi %sign3A_332, %sign3A_335 : i32
      %ne3A_337 = arith.cmpi ne, %sign3A_329, %sign3A_336 : i32
      %rem3A_338 = arith.remsi %add3A_301, %jit3A_321 : i32
      %ne3A_339 = arith.constant 0 : i32
      %ne3A_340 = arith.cmpi ne, %rem3A_338, %ne3A_339 : i32
      %and3A_341 = arith.andi %ne3A_337, %ne3A_340 : i1
      %sub3A_342 = arith.constant 1 : i32
      %sub3A_343 = arith.subi %div3A_322, %sub3A_342 : i32
      %select_n3A_344 = arith.select %and3A_341, %sub3A_343, %div3A_322 : i32
      %mul3A_345 = arith.constant 6400 : i32
      %mul3A_346 = arith.muli %select_n3A_344, %mul3A_345 : i32
      %add3A_347 = arith.constant 89600 : i32
      %add3A_348 = arith.addi %add3A_347, %mul3A_346 : i32
      %multiple_of3A_349 = tpu.assume_multiple %add3A_348, 128 : i32
      %dma_start3A_350 = arith.constant 0 : i32
      %dma_start3A_351 = arith.constant 0 : i32
      %dma_start3A_352 = tpu.memref_slice %arg16[%sub3A_6, %dma_start3A_350, %dma_start3A_351] : memref<2x8x6400xf32, #tpu.memory_space<vmem_shared>> -> memref<1x8x6400xf32, #tpu.memory_space<vmem_shared>>
      %dma_start3A_353 = tpu.memref_squeeze %dma_start3A_352 : memref<1x8x6400xf32, #tpu.memory_space<vmem_shared>> -> memref<8x6400xf32, #tpu.memory_space<vmem_shared>>
      %dma_start3A_354 = arith.constant 0 : i32
      %dma_start3A_355 = tpu.memref_slice %arg2[%add3A_320, %dma_start3A_354, %multiple_of3A_349] : memref<4x8x160000xf32, #tpu.memory_space<hbm>> -> memref<1x8x6400xf32, #tpu.memory_space<hbm>>
      %dma_start3A_356 = tpu.memref_squeeze %dma_start3A_355 : memref<1x8x6400xf32, #tpu.memory_space<hbm>> -> memref<8x6400xf32, #tpu.memory_space<hbm>>
      tpu.enqueue_dma source(%dma_start3A_356 : memref<8x6400xf32, #tpu.memory_space<hbm>>) target(%dma_start3A_353 : memref<8x6400xf32, #tpu.memory_space<vmem_shared>>) target_semaphore(%arg19 : memref<!tpu.dma_semaphore, #tpu.memory_space<semaphore_mem>>)
      %dma_wait3A_357 = arith.constant 0 : i32
      %dma_wait3A_358 = arith.constant 0 : i32
      %dma_wait3A_359 = tpu.memref_slice %arg18[%sub3A_6, %dma_wait3A_357, %dma_wait3A_358] : memref<2x8x6400xf32, #tpu.memory_space<vmem_shared>> -> memref<1x8x6400xf32, #tpu.memory_space<vmem_shared>>
      %dma_wait3A_360 = tpu.memref_squeeze %dma_wait3A_359 : memref<1x8x6400xf32, #tpu.memory_space<vmem_shared>> -> memref<8x6400xf32, #tpu.memory_space<vmem_shared>>
      %dma_wait3A_361 = arith.constant 0 : i32
      %dma_wait3A_362 = tpu.memref_slice %arg2[%add3A_192, %dma_wait3A_361, %multiple_of3A_221] : memref<4x8x160000xf32, #tpu.memory_space<hbm>> -> memref<1x8x6400xf32, #tpu.memory_space<hbm>>
      %dma_wait3A_363 = tpu.memref_squeeze %dma_wait3A_362 : memref<1x8x6400xf32, #tpu.memory_space<hbm>> -> memref<8x6400xf32, #tpu.memory_space<hbm>>
      tpu.wait_dma2 semaphore(%arg21 : memref<!tpu.dma_semaphore, #tpu.memory_space<semaphore_mem>>) src(%dma_wait3A_363 : memref<8x6400xf32, #tpu.memory_space<hbm>>) dst(%dma_wait3A_360 : memref<8x6400xf32, #tpu.memory_space<vmem_shared>>)
      %add3A_364 = arith.constant 4 : i32
      %add3A_365 = arith.addi %add3A_364, %sub3A_6 : i32
      %mul3A_366 = arith.constant 2 : i32
      %mul3A_367 = arith.muli %mul3A_366, %arg0 : i32
      %jit3A_368 = arith.constant 2 : i32
      %eq3A_369 = arith.constant 0 : i32
      %eq3A_370 = arith.cmpi eq, %jit3A_368, %eq3A_369 : i32
      %jit3A_371 = arith.constant 1 : i32
      %select_n3A_372 = arith.select %eq3A_370, %jit3A_371, %jit3A_368 : i32
      %rem3A_373 = arith.remsi %add3A_365, %select_n3A_372 : i32
      %ne3A_374 = arith.constant 0 : i32
      %ne3A_375 = arith.cmpi ne, %rem3A_373, %ne3A_374 : i32
      %lt3A_376 = arith.constant 0 : i32
      %lt3A_377 = arith.cmpi slt, %rem3A_373, %lt3A_376 : i32
      %lt3A_378 = arith.constant 0 : i32
      %lt3A_379 = arith.cmpi slt, %select_n3A_372, %lt3A_378 : i32
      %ne3A_380 = arith.xori %lt3A_377, %lt3A_379 : i1
      %and3A_381 = arith.andi %ne3A_380, %ne3A_375 : i1
      %add3A_382 = arith.addi %rem3A_373, %select_n3A_372 : i32
      %select_n3A_383 = arith.select %and3A_381, %add3A_382, %rem3A_373 : i32
      %add3A_384 = arith.addi %mul3A_367, %select_n3A_383 : i32
      %jit3A_385 = arith.constant 2 : i32
      %div3A_386 = arith.divsi %add3A_365, %jit3A_385 : i32
      %sign3A_387 = arith.constant 0 : i32
      %sign3A_388 = arith.cmpi sgt, %add3A_365, %sign3A_387 : i32
      %sign3A_389 = arith.extui %sign3A_388 : i1 to i32
      %sign3A_390 = arith.constant 0 : i32
      %sign3A_391 = arith.cmpi slt, %add3A_365, %sign3A_390 : i32
      %sign3A_392 = arith.extui %sign3A_391 : i1 to i32
      %sign3A_393 = arith.subi %sign3A_389, %sign3A_392 : i32
      %sign3A_394 = arith.constant 0 : i32
      %sign3A_395 = arith.cmpi sgt, %jit3A_385, %sign3A_394 : i32
      %sign3A_396 = arith.extui %sign3A_395 : i1 to i32
      %sign3A_397 = arith.constant 0 : i32
      %sign3A_398 = arith.cmpi slt, %jit3A_385, %sign3A_397 : i32
      %sign3A_399 = arith.extui %sign3A_398 : i1 to i32
      %sign3A_400 = arith.subi %sign3A_396, %sign3A_399 : i32
      %ne3A_401 = arith.cmpi ne, %sign3A_393, %sign3A_400 : i32
      %rem3A_402 = arith.remsi %add3A_365, %jit3A_385 : i32
      %ne3A_403 = arith.constant 0 : i32
      %ne3A_404 = arith.cmpi ne, %rem3A_402, %ne3A_403 : i32
      %and3A_405 = arith.andi %ne3A_401, %ne3A_404 : i1
      %sub3A_406 = arith.constant 1 : i32
      %sub3A_407 = arith.subi %div3A_386, %sub3A_406 : i32
      %select_n3A_408 = arith.select %and3A_405, %sub3A_407, %div3A_386 : i32
      %mul3A_409 = arith.constant 6400 : i32
      %mul3A_410 = arith.muli %select_n3A_408, %mul3A_409 : i32
      %add3A_411 = arith.constant 89600 : i32
      %add3A_412 = arith.addi %add3A_411, %mul3A_410 : i32
      %multiple_of3A_413 = tpu.assume_multiple %add3A_412, 128 : i32
      %dma_start3A_414 = arith.constant 0 : i32
      %dma_start3A_415 = tpu.memref_slice %arg3[%add3A_384, %dma_start3A_414, %multiple_of3A_413] : memref<4x8x160000xf32, #tpu.memory_space<hbm>> -> memref<1x8x6400xf32, #tpu.memory_space<hbm>>
      %dma_start3A_416 = tpu.memref_squeeze %dma_start3A_415 : memref<1x8x6400xf32, #tpu.memory_space<hbm>> -> memref<8x6400xf32, #tpu.memory_space<hbm>>
      %dma_start3A_417 = arith.constant 0 : i32
      %dma_start3A_418 = arith.constant 0 : i32
      %dma_start3A_419 = tpu.memref_slice %arg18[%sub3A_6, %dma_start3A_417, %dma_start3A_418] : memref<2x8x6400xf32, #tpu.memory_space<vmem_shared>> -> memref<1x8x6400xf32, #tpu.memory_space<vmem_shared>>
      %dma_start3A_420 = tpu.memref_squeeze %dma_start3A_419 : memref<1x8x6400xf32, #tpu.memory_space<vmem_shared>> -> memref<8x6400xf32, #tpu.memory_space<vmem_shared>>
      tpu.enqueue_dma source(%dma_start3A_420 : memref<8x6400xf32, #tpu.memory_space<vmem_shared>>) target(%dma_start3A_416 : memref<8x6400xf32, #tpu.memory_space<hbm>>) target_semaphore(%arg24 : memref<!tpu.dma_semaphore, #tpu.memory_space<semaphore_mem>>)
      %dma_wait3A_421 = arith.constant 0 : i32
      %dma_wait3A_422 = tpu.memref_slice %arg3[%add3A_256, %dma_wait3A_421, %multiple_of3A_285] : memref<4x8x160000xf32, #tpu.memory_space<hbm>> -> memref<1x8x6400xf32, #tpu.memory_space<hbm>>
      %dma_wait3A_423 = tpu.memref_squeeze %dma_wait3A_422 : memref<1x8x6400xf32, #tpu.memory_space<hbm>> -> memref<8x6400xf32, #tpu.memory_space<hbm>>
      %dma_wait3A_424 = arith.constant 0 : i32
      %dma_wait3A_425 = arith.constant 0 : i32
      %dma_wait3A_426 = tpu.memref_slice %arg17[%sub3A_6, %dma_wait3A_424, %dma_wait3A_425] : memref<2x8x6400xf32, #tpu.memory_space<vmem_shared>> -> memref<1x8x6400xf32, #tpu.memory_space<vmem_shared>>
      %dma_wait3A_427 = tpu.memref_squeeze %dma_wait3A_426 : memref<1x8x6400xf32, #tpu.memory_space<vmem_shared>> -> memref<8x6400xf32, #tpu.memory_space<vmem_shared>>
      tpu.wait_dma2 semaphore(%arg23 : memref<!tpu.dma_semaphore, #tpu.memory_space<semaphore_mem>>) src(%dma_wait3A_427 : memref<8x6400xf32, #tpu.memory_space<vmem_shared>>) dst(%dma_wait3A_423 : memref<8x6400xf32, #tpu.memory_space<hbm>>)
      %add3A_428 = arith.constant 8 : i32
      %add3A_429 = arith.addi %add3A_428, %sub3A_6 : i32
      %mul3A_430 = arith.constant 2 : i32
      %mul3A_431 = arith.muli %mul3A_430, %arg0 : i32
      %jit3A_432 = arith.constant 2 : i32
      %eq3A_433 = arith.constant 0 : i32
      %eq3A_434 = arith.cmpi eq, %jit3A_432, %eq3A_433 : i32
      %jit3A_435 = arith.constant 1 : i32
      %select_n3A_436 = arith.select %eq3A_434, %jit3A_435, %jit3A_432 : i32
      %rem3A_437 = arith.remsi %add3A_429, %select_n3A_436 : i32
      %ne3A_438 = arith.constant 0 : i32
      %ne3A_439 = arith.cmpi ne, %rem3A_437, %ne3A_438 : i32
      %lt3A_440 = arith.constant 0 : i32
      %lt3A_441 = arith.cmpi slt, %rem3A_437, %lt3A_440 : i32
      %lt3A_442 = arith.constant 0 : i32
      %lt3A_443 = arith.cmpi slt, %select_n3A_436, %lt3A_442 : i32
      %ne3A_444 = arith.xori %lt3A_441, %lt3A_443 : i1
      %and3A_445 = arith.andi %ne3A_444, %ne3A_439 : i1
      %add3A_446 = arith.addi %rem3A_437, %select_n3A_436 : i32
      %select_n3A_447 = arith.select %and3A_445, %add3A_446, %rem3A_437 : i32
      %add3A_448 = arith.addi %mul3A_431, %select_n3A_447 : i32
      %jit3A_449 = arith.constant 2 : i32
      %div3A_450 = arith.divsi %add3A_429, %jit3A_449 : i32
      %sign3A_451 = arith.constant 0 : i32
      %sign3A_452 = arith.cmpi sgt, %add3A_429, %sign3A_451 : i32
      %sign3A_453 = arith.extui %sign3A_452 : i1 to i32
      %sign3A_454 = arith.constant 0 : i32
      %sign3A_455 = arith.cmpi slt, %add3A_429, %sign3A_454 : i32
      %sign3A_456 = arith.extui %sign3A_455 : i1 to i32
      %sign3A_457 = arith.subi %sign3A_453, %sign3A_456 : i32
      %sign3A_458 = arith.constant 0 : i32
      %sign3A_459 = arith.cmpi sgt, %jit3A_449, %sign3A_458 : i32
      %sign3A_460 = arith.extui %sign3A_459 : i1 to i32
      %sign3A_461 = arith.constant 0 : i32
      %sign3A_462 = arith.cmpi slt, %jit3A_449, %sign3A_461 : i32
      %sign3A_463 = arith.extui %sign3A_462 : i1 to i32
      %sign3A_464 = arith.subi %sign3A_460, %sign3A_463 : i32
      %ne3A_465 = arith.cmpi ne, %sign3A_457, %sign3A_464 : i32
      %rem3A_466 = arith.remsi %add3A_429, %jit3A_449 : i32
      %ne3A_467 = arith.constant 0 : i32
      %ne3A_468 = arith.cmpi ne, %rem3A_466, %ne3A_467 : i32
      %and3A_469 = arith.andi %ne3A_465, %ne3A_468 : i1
      %sub3A_470 = arith.constant 1 : i32
      %sub3A_471 = arith.subi %div3A_450, %sub3A_470 : i32
      %select_n3A_472 = arith.select %and3A_469, %sub3A_471, %div3A_450 : i32
      %mul3A_473 = arith.constant 6400 : i32
      %mul3A_474 = arith.muli %select_n3A_472, %mul3A_473 : i32
      %add3A_475 = arith.constant 89600 : i32
      %add3A_476 = arith.addi %add3A_475, %mul3A_474 : i32
      %multiple_of3A_477 = tpu.assume_multiple %add3A_476, 128 : i32
      %dma_start3A_478 = arith.constant 0 : i32
      %dma_start3A_479 = arith.constant 0 : i32
      %dma_start3A_480 = tpu.memref_slice %arg17[%sub3A_6, %dma_start3A_478, %dma_start3A_479] : memref<2x8x6400xf32, #tpu.memory_space<vmem_shared>> -> memref<1x8x6400xf32, #tpu.memory_space<vmem_shared>>
      %dma_start3A_481 = tpu.memref_squeeze %dma_start3A_480 : memref<1x8x6400xf32, #tpu.memory_space<vmem_shared>> -> memref<8x6400xf32, #tpu.memory_space<vmem_shared>>
      %dma_start3A_482 = arith.constant 0 : i32
      %dma_start3A_483 = tpu.memref_slice %arg2[%add3A_448, %dma_start3A_482, %multiple_of3A_477] : memref<4x8x160000xf32, #tpu.memory_space<hbm>> -> memref<1x8x6400xf32, #tpu.memory_space<hbm>>
      %dma_start3A_484 = tpu.memref_squeeze %dma_start3A_483 : memref<1x8x6400xf32, #tpu.memory_space<hbm>> -> memref<8x6400xf32, #tpu.memory_space<hbm>>
      tpu.enqueue_dma source(%dma_start3A_484 : memref<8x6400xf32, #tpu.memory_space<hbm>>) target(%dma_start3A_481 : memref<8x6400xf32, #tpu.memory_space<vmem_shared>>) target_semaphore(%arg20 : memref<!tpu.dma_semaphore, #tpu.memory_space<semaphore_mem>>)
      %dma_wait3A_485 = arith.constant 0 : i32
      %dma_wait3A_486 = arith.constant 0 : i32
      %dma_wait3A_487 = tpu.memref_slice %arg16[%sub3A_6, %dma_wait3A_485, %dma_wait3A_486] : memref<2x8x6400xf32, #tpu.memory_space<vmem_shared>> -> memref<1x8x6400xf32, #tpu.memory_space<vmem_shared>>
      %dma_wait3A_488 = tpu.memref_squeeze %dma_wait3A_487 : memref<1x8x6400xf32, #tpu.memory_space<vmem_shared>> -> memref<8x6400xf32, #tpu.memory_space<vmem_shared>>
      %dma_wait3A_489 = arith.constant 0 : i32
      %dma_wait3A_490 = tpu.memref_slice %arg2[%add3A_320, %dma_wait3A_489, %multiple_of3A_349] : memref<4x8x160000xf32, #tpu.memory_space<hbm>> -> memref<1x8x6400xf32, #tpu.memory_space<hbm>>
      %dma_wait3A_491 = tpu.memref_squeeze %dma_wait3A_490 : memref<1x8x6400xf32, #tpu.memory_space<hbm>> -> memref<8x6400xf32, #tpu.memory_space<hbm>>
      tpu.wait_dma2 semaphore(%arg19 : memref<!tpu.dma_semaphore, #tpu.memory_space<semaphore_mem>>) src(%dma_wait3A_491 : memref<8x6400xf32, #tpu.memory_space<hbm>>) dst(%dma_wait3A_488 : memref<8x6400xf32, #tpu.memory_space<vmem_shared>>)
      %add3A_492 = arith.constant 6 : i32
      %add3A_493 = arith.addi %add3A_492, %sub3A_6 : i32
      %mul3A_494 = arith.constant 2 : i32
      %mul3A_495 = arith.muli %mul3A_494, %arg0 : i32
      %jit3A_496 = arith.constant 2 : i32
      %eq3A_497 = arith.constant 0 : i32
      %eq3A_498 = arith.cmpi eq, %jit3A_496, %eq3A_497 : i32
      %jit3A_499 = arith.constant 1 : i32
      %select_n3A_500 = arith.select %eq3A_498, %jit3A_499, %jit3A_496 : i32
      %rem3A_501 = arith.remsi %add3A_493, %select_n3A_500 : i32
      %ne3A_502 = arith.constant 0 : i32
      %ne3A_503 = arith.cmpi ne, %rem3A_501, %ne3A_502 : i32
      %lt3A_504 = arith.constant 0 : i32
      %lt3A_505 = arith.cmpi slt, %rem3A_501, %lt3A_504 : i32
      %lt3A_506 = arith.constant 0 : i32
      %lt3A_507 = arith.cmpi slt, %select_n3A_500, %lt3A_506 : i32
      %ne3A_508 = arith.xori %lt3A_505, %lt3A_507 : i1
      %and3A_509 = arith.andi %ne3A_508, %ne3A_503 : i1
      %add3A_510 = arith.addi %rem3A_501, %select_n3A_500 : i32
      %select_n3A_511 = arith.select %and3A_509, %add3A_510, %rem3A_501 : i32
      %add3A_512 = arith.addi %mul3A_495, %select_n3A_511 : i32
      %jit3A_513 = arith.constant 2 : i32
      %div3A_514 = arith.divsi %add3A_493, %jit3A_513 : i32
      %sign3A_515 = arith.constant 0 : i32
      %sign3A_516 = arith.cmpi sgt, %add3A_493, %sign3A_515 : i32
      %sign3A_517 = arith.extui %sign3A_516 : i1 to i32
      %sign3A_518 = arith.constant 0 : i32
      %sign3A_519 = arith.cmpi slt, %add3A_493, %sign3A_518 : i32
      %sign3A_520 = arith.extui %sign3A_519 : i1 to i32
      %sign3A_521 = arith.subi %sign3A_517, %sign3A_520 : i32
      %sign3A_522 = arith.constant 0 : i32
      %sign3A_523 = arith.cmpi sgt, %jit3A_513, %sign3A_522 : i32
      %sign3A_524 = arith.extui %sign3A_523 : i1 to i32
      %sign3A_525 = arith.constant 0 : i32
      %sign3A_526 = arith.cmpi slt, %jit3A_513, %sign3A_525 : i32
      %sign3A_527 = arith.extui %sign3A_526 : i1 to i32
      %sign3A_528 = arith.subi %sign3A_524, %sign3A_527 : i32
      %ne3A_529 = arith.cmpi ne, %sign3A_521, %sign3A_528 : i32
      %rem3A_530 = arith.remsi %add3A_493, %jit3A_513 : i32
      %ne3A_531 = arith.constant 0 : i32
      %ne3A_532 = arith.cmpi ne, %rem3A_530, %ne3A_531 : i32
      %and3A_533 = arith.andi %ne3A_529, %ne3A_532 : i1
      %sub3A_534 = arith.constant 1 : i32
      %sub3A_535 = arith.subi %div3A_514, %sub3A_534 : i32
      %select_n3A_536 = arith.select %and3A_533, %sub3A_535, %div3A_514 : i32
      %mul3A_537 = arith.constant 6400 : i32
      %mul3A_538 = arith.muli %select_n3A_536, %mul3A_537 : i32
      %add3A_539 = arith.constant 89600 : i32
      %add3A_540 = arith.addi %add3A_539, %mul3A_538 : i32
      %multiple_of3A_541 = tpu.assume_multiple %add3A_540, 128 : i32
      %dma_start3A_542 = arith.constant 0 : i32
      %dma_start3A_543 = tpu.memref_slice %arg3[%add3A_512, %dma_start3A_542, %multiple_of3A_541] : memref<4x8x160000xf32, #tpu.memory_space<hbm>> -> memref<1x8x6400xf32, #tpu.memory_space<hbm>>
      %dma_start3A_544 = tpu.memref_squeeze %dma_start3A_543 : memref<1x8x6400xf32, #tpu.memory_space<hbm>> -> memref<8x6400xf32, #tpu.memory_space<hbm>>
      %dma_start3A_545 = arith.constant 0 : i32
      %dma_start3A_546 = arith.constant 0 : i32
      %dma_start3A_547 = tpu.memref_slice %arg16[%sub3A_6, %dma_start3A_545, %dma_start3A_546] : memref<2x8x6400xf32, #tpu.memory_space<vmem_shared>> -> memref<1x8x6400xf32, #tpu.memory_space<vmem_shared>>
      %dma_start3A_548 = tpu.memref_squeeze %dma_start3A_547 : memref<1x8x6400xf32, #tpu.memory_space<vmem_shared>> -> memref<8x6400xf32, #tpu.memory_space<vmem_shared>>
      tpu.enqueue_dma source(%dma_start3A_548 : memref<8x6400xf32, #tpu.memory_space<vmem_shared>>) target(%dma_start3A_544 : memref<8x6400xf32, #tpu.memory_space<hbm>>) target_semaphore(%arg22 : memref<!tpu.dma_semaphore, #tpu.memory_space<semaphore_mem>>)
      %dma_wait3A_549 = arith.constant 0 : i32
      %dma_wait3A_550 = tpu.memref_slice %arg3[%add3A_384, %dma_wait3A_549, %multiple_of3A_413] : memref<4x8x160000xf32, #tpu.memory_space<hbm>> -> memref<1x8x6400xf32, #tpu.memory_space<hbm>>
      %dma_wait3A_551 = tpu.memref_squeeze %dma_wait3A_550 : memref<1x8x6400xf32, #tpu.memory_space<hbm>> -> memref<8x6400xf32, #tpu.memory_space<hbm>>
      %dma_wait3A_552 = arith.constant 0 : i32
      %dma_wait3A_553 = arith.constant 0 : i32
      %dma_wait3A_554 = tpu.memref_slice %arg18[%sub3A_6, %dma_wait3A_552, %dma_wait3A_553] : memref<2x8x6400xf32, #tpu.memory_space<vmem_shared>> -> memref<1x8x6400xf32, #tpu.memory_space<vmem_shared>>
      %dma_wait3A_555 = tpu.memref_squeeze %dma_wait3A_554 : memref<1x8x6400xf32, #tpu.memory_space<vmem_shared>> -> memref<8x6400xf32, #tpu.memory_space<vmem_shared>>
      tpu.wait_dma2 semaphore(%arg24 : memref<!tpu.dma_semaphore, #tpu.memory_space<semaphore_mem>>) src(%dma_wait3A_555 : memref<8x6400xf32, #tpu.memory_space<vmem_shared>>) dst(%dma_wait3A_551 : memref<8x6400xf32, #tpu.memory_space<hbm>>)
      %add3A_556 = arith.constant 10 : i32
      %add3A_557 = arith.addi %add3A_556, %sub3A_6 : i32
      %mul3A_558 = arith.constant 2 : i32
      %mul3A_559 = arith.muli %mul3A_558, %arg0 : i32
      %jit3A_560 = arith.constant 2 : i32
      %eq3A_561 = arith.constant 0 : i32
      %eq3A_562 = arith.cmpi eq, %jit3A_560, %eq3A_561 : i32
      %jit3A_563 = arith.constant 1 : i32
      %select_n3A_564 = arith.select %eq3A_562, %jit3A_563, %jit3A_560 : i32
      %rem3A_565 = arith.remsi %add3A_557, %select_n3A_564 : i32
      %ne3A_566 = arith.constant 0 : i32
      %ne3A_567 = arith.cmpi ne, %rem3A_565, %ne3A_566 : i32
      %lt3A_568 = arith.constant 0 : i32
      %lt3A_569 = arith.cmpi slt, %rem3A_565, %lt3A_568 : i32
      %lt3A_570 = arith.constant 0 : i32
      %lt3A_571 = arith.cmpi slt, %select_n3A_564, %lt3A_570 : i32
      %ne3A_572 = arith.xori %lt3A_569, %lt3A_571 : i1
      %and3A_573 = arith.andi %ne3A_572, %ne3A_567 : i1
      %add3A_574 = arith.addi %rem3A_565, %select_n3A_564 : i32
      %select_n3A_575 = arith.select %and3A_573, %add3A_574, %rem3A_565 : i32
      %add3A_576 = arith.addi %mul3A_559, %select_n3A_575 : i32
      %jit3A_577 = arith.constant 2 : i32
      %div3A_578 = arith.divsi %add3A_557, %jit3A_577 : i32
      %sign3A_579 = arith.constant 0 : i32
      %sign3A_580 = arith.cmpi sgt, %add3A_557, %sign3A_579 : i32
      %sign3A_581 = arith.extui %sign3A_580 : i1 to i32
      %sign3A_582 = arith.constant 0 : i32
      %sign3A_583 = arith.cmpi slt, %add3A_557, %sign3A_582 : i32
      %sign3A_584 = arith.extui %sign3A_583 : i1 to i32
      %sign3A_585 = arith.subi %sign3A_581, %sign3A_584 : i32
      %sign3A_586 = arith.constant 0 : i32
      %sign3A_587 = arith.cmpi sgt, %jit3A_577, %sign3A_586 : i32
      %sign3A_588 = arith.extui %sign3A_587 : i1 to i32
      %sign3A_589 = arith.constant 0 : i32
      %sign3A_590 = arith.cmpi slt, %jit3A_577, %sign3A_589 : i32
      %sign3A_591 = arith.extui %sign3A_590 : i1 to i32
      %sign3A_592 = arith.subi %sign3A_588, %sign3A_591 : i32
      %ne3A_593 = arith.cmpi ne, %sign3A_585, %sign3A_592 : i32
      %rem3A_594 = arith.remsi %add3A_557, %jit3A_577 : i32
      %ne3A_595 = arith.constant 0 : i32
      %ne3A_596 = arith.cmpi ne, %rem3A_594, %ne3A_595 : i32
      %and3A_597 = arith.andi %ne3A_593, %ne3A_596 : i1
      %sub3A_598 = arith.constant 1 : i32
      %sub3A_599 = arith.subi %div3A_578, %sub3A_598 : i32
      %select_n3A_600 = arith.select %and3A_597, %sub3A_599, %div3A_578 : i32
      %mul3A_601 = arith.constant 6400 : i32
      %mul3A_602 = arith.muli %select_n3A_600, %mul3A_601 : i32
      %add3A_603 = arith.constant 89600 : i32
      %add3A_604 = arith.addi %add3A_603, %mul3A_602 : i32
      %multiple_of3A_605 = tpu.assume_multiple %add3A_604, 128 : i32
      %dma_start3A_606 = arith.constant 0 : i32
      %dma_start3A_607 = arith.constant 0 : i32
      %dma_start3A_608 = tpu.memref_slice %arg18[%sub3A_6, %dma_start3A_606, %dma_start3A_607] : memref<2x8x6400xf32, #tpu.memory_space<vmem_shared>> -> memref<1x8x6400xf32, #tpu.memory_space<vmem_shared>>
      %dma_start3A_609 = tpu.memref_squeeze %dma_start3A_608 : memref<1x8x6400xf32, #tpu.memory_space<vmem_shared>> -> memref<8x6400xf32, #tpu.memory_space<vmem_shared>>
      %dma_start3A_610 = arith.constant 0 : i32
      %dma_start3A_611 = tpu.memref_slice %arg2[%add3A_576, %dma_start3A_610, %multiple_of3A_605] : memref<4x8x160000xf32, #tpu.memory_space<hbm>> -> memref<1x8x6400xf32, #tpu.memory_space<hbm>>
      %dma_start3A_612 = tpu.memref_squeeze %dma_start3A_611 : memref<1x8x6400xf32, #tpu.memory_space<hbm>> -> memref<8x6400xf32, #tpu.memory_space<hbm>>
      tpu.enqueue_dma source(%dma_start3A_612 : memref<8x6400xf32, #tpu.memory_space<hbm>>) target(%dma_start3A_609 : memref<8x6400xf32, #tpu.memory_space<vmem_shared>>) target_semaphore(%arg21 : memref<!tpu.dma_semaphore, #tpu.memory_space<semaphore_mem>>)
      %dma_wait3A_613 = arith.constant 0 : i32
      %dma_wait3A_614 = arith.constant 0 : i32
      %dma_wait3A_615 = tpu.memref_slice %arg17[%sub3A_6, %dma_wait3A_613, %dma_wait3A_614] : memref<2x8x6400xf32, #tpu.memory_space<vmem_shared>> -> memref<1x8x6400xf32, #tpu.memory_space<vmem_shared>>
      %dma_wait3A_616 = tpu.memref_squeeze %dma_wait3A_615 : memref<1x8x6400xf32, #tpu.memory_space<vmem_shared>> -> memref<8x6400xf32, #tpu.memory_space<vmem_shared>>
      %dma_wait3A_617 = arith.constant 0 : i32
      %dma_wait3A_618 = tpu.memref_slice %arg2[%add3A_448, %dma_wait3A_617, %multiple_of3A_477] : memref<4x8x160000xf32, #tpu.memory_space<hbm>> -> memref<1x8x6400xf32, #tpu.memory_space<hbm>>
      %dma_wait3A_619 = tpu.memref_squeeze %dma_wait3A_618 : memref<1x8x6400xf32, #tpu.memory_space<hbm>> -> memref<8x6400xf32, #tpu.memory_space<hbm>>
      tpu.wait_dma2 semaphore(%arg20 : memref<!tpu.dma_semaphore, #tpu.memory_space<semaphore_mem>>) src(%dma_wait3A_619 : memref<8x6400xf32, #tpu.memory_space<hbm>>) dst(%dma_wait3A_616 : memref<8x6400xf32, #tpu.memory_space<vmem_shared>>)
      %add3A_620 = arith.constant 8 : i32
      %add3A_621 = arith.addi %add3A_620, %sub3A_6 : i32
      %mul3A_622 = arith.constant 2 : i32
      %mul3A_623 = arith.muli %mul3A_622, %arg0 : i32
      %jit3A_624 = arith.constant 2 : i32
      %eq3A_625 = arith.constant 0 : i32
      %eq3A_626 = arith.cmpi eq, %jit3A_624, %eq3A_625 : i32
      %jit3A_627 = arith.constant 1 : i32
      %select_n3A_628 = arith.select %eq3A_626, %jit3A_627, %jit3A_624 : i32
      %rem3A_629 = arith.remsi %add3A_621, %select_n3A_628 : i32
      %ne3A_630 = arith.constant 0 : i32
      %ne3A_631 = arith.cmpi ne, %rem3A_629, %ne3A_630 : i32
      %lt3A_632 = arith.constant 0 : i32
      %lt3A_633 = arith.cmpi slt, %rem3A_629, %lt3A_632 : i32
      %lt3A_634 = arith.constant 0 : i32
      %lt3A_635 = arith.cmpi slt, %select_n3A_628, %lt3A_634 : i32
      %ne3A_636 = arith.xori %lt3A_633, %lt3A_635 : i1
      %and3A_637 = arith.andi %ne3A_636, %ne3A_631 : i1
      %add3A_638 = arith.addi %rem3A_629, %select_n3A_628 : i32
      %select_n3A_639 = arith.select %and3A_637, %add3A_638, %rem3A_629 : i32
      %add3A_640 = arith.addi %mul3A_623, %select_n3A_639 : i32
      %jit3A_641 = arith.constant 2 : i32
      %div3A_642 = arith.divsi %add3A_621, %jit3A_641 : i32
      %sign3A_643 = arith.constant 0 : i32
      %sign3A_644 = arith.cmpi sgt, %add3A_621, %sign3A_643 : i32
      %sign3A_645 = arith.extui %sign3A_644 : i1 to i32
      %sign3A_646 = arith.constant 0 : i32
      %sign3A_647 = arith.cmpi slt, %add3A_621, %sign3A_646 : i32
      %sign3A_648 = arith.extui %sign3A_647 : i1 to i32
      %sign3A_649 = arith.subi %sign3A_645, %sign3A_648 : i32
      %sign3A_650 = arith.constant 0 : i32
      %sign3A_651 = arith.cmpi sgt, %jit3A_641, %sign3A_650 : i32
      %sign3A_652 = arith.extui %sign3A_651 : i1 to i32
      %sign3A_653 = arith.constant 0 : i32
      %sign3A_654 = arith.cmpi slt, %jit3A_641, %sign3A_653 : i32
      %sign3A_655 = arith.extui %sign3A_654 : i1 to i32
      %sign3A_656 = arith.subi %sign3A_652, %sign3A_655 : i32
      %ne3A_657 = arith.cmpi ne, %sign3A_649, %sign3A_656 : i32
      %rem3A_658 = arith.remsi %add3A_621, %jit3A_641 : i32
      %ne3A_659 = arith.constant 0 : i32
      %ne3A_660 = arith.cmpi ne, %rem3A_658, %ne3A_659 : i32
      %and3A_661 = arith.andi %ne3A_657, %ne3A_660 : i1
      %sub3A_662 = arith.constant 1 : i32
      %sub3A_663 = arith.subi %div3A_642, %sub3A_662 : i32
      %select_n3A_664 = arith.select %and3A_661, %sub3A_663, %div3A_642 : i32
      %mul3A_665 = arith.constant 6400 : i32
      %mul3A_666 = arith.muli %select_n3A_664, %mul3A_665 : i32
      %add3A_667 = arith.constant 89600 : i32
      %add3A_668 = arith.addi %add3A_667, %mul3A_666 : i32
      %multiple_of3A_669 = tpu.assume_multiple %add3A_668, 128 : i32
      %dma_start3A_670 = arith.constant 0 : i32
      %dma_start3A_671 = tpu.memref_slice %arg3[%add3A_640, %dma_start3A_670, %multiple_of3A_669] : memref<4x8x160000xf32, #tpu.memory_space<hbm>> -> memref<1x8x6400xf32, #tpu.memory_space<hbm>>
      %dma_start3A_672 = tpu.memref_squeeze %dma_start3A_671 : memref<1x8x6400xf32, #tpu.memory_space<hbm>> -> memref<8x6400xf32, #tpu.memory_space<hbm>>
      %dma_start3A_673 = arith.constant 0 : i32
      %dma_start3A_674 = arith.constant 0 : i32
      %dma_start3A_675 = tpu.memref_slice %arg17[%sub3A_6, %dma_start3A_673, %dma_start3A_674] : memref<2x8x6400xf32, #tpu.memory_space<vmem_shared>> -> memref<1x8x6400xf32, #tpu.memory_space<vmem_shared>>
      %dma_start3A_676 = tpu.memref_squeeze %dma_start3A_675 : memref<1x8x6400xf32, #tpu.memory_space<vmem_shared>> -> memref<8x6400xf32, #tpu.memory_space<vmem_shared>>
      tpu.enqueue_dma source(%dma_start3A_676 : memref<8x6400xf32, #tpu.memory_space<vmem_shared>>) target(%dma_start3A_672 : memref<8x6400xf32, #tpu.memory_space<hbm>>) target_semaphore(%arg23 : memref<!tpu.dma_semaphore, #tpu.memory_space<semaphore_mem>>)
      %dma_wait3A_677 = arith.constant 0 : i32
      %dma_wait3A_678 = tpu.memref_slice %arg3[%add3A_512, %dma_wait3A_677, %multiple_of3A_541] : memref<4x8x160000xf32, #tpu.memory_space<hbm>> -> memref<1x8x6400xf32, #tpu.memory_space<hbm>>
      %dma_wait3A_679 = tpu.memref_squeeze %dma_wait3A_678 : memref<1x8x6400xf32, #tpu.memory_space<hbm>> -> memref<8x6400xf32, #tpu.memory_space<hbm>>
      %dma_wait3A_680 = arith.constant 0 : i32
      %dma_wait3A_681 = arith.constant 0 : i32
      %dma_wait3A_682 = tpu.memref_slice %arg16[%sub3A_6, %dma_wait3A_680, %dma_wait3A_681] : memref<2x8x6400xf32, #tpu.memory_space<vmem_shared>> -> memref<1x8x6400xf32, #tpu.memory_space<vmem_shared>>
      %dma_wait3A_683 = tpu.memref_squeeze %dma_wait3A_682 : memref<1x8x6400xf32, #tpu.memory_space<vmem_shared>> -> memref<8x6400xf32, #tpu.memory_space<vmem_shared>>
      tpu.wait_dma2 semaphore(%arg22 : memref<!tpu.dma_semaphore, #tpu.memory_space<semaphore_mem>>) src(%dma_wait3A_683 : memref<8x6400xf32, #tpu.memory_space<vmem_shared>>) dst(%dma_wait3A_679 : memref<8x6400xf32, #tpu.memory_space<hbm>>)
      %add3A_684 = arith.constant 12 : i32
      %add3A_685 = arith.addi %add3A_684, %sub3A_6 : i32
      %mul3A_686 = arith.constant 2 : i32
      %mul3A_687 = arith.muli %mul3A_686, %arg0 : i32
      %jit3A_688 = arith.constant 2 : i32
      %eq3A_689 = arith.constant 0 : i32
      %eq3A_690 = arith.cmpi eq, %jit3A_688, %eq3A_689 : i32
      %jit3A_691 = arith.constant 1 : i32
      %select_n3A_692 = arith.select %eq3A_690, %jit3A_691, %jit3A_688 : i32
      %rem3A_693 = arith.remsi %add3A_685, %select_n3A_692 : i32
      %ne3A_694 = arith.constant 0 : i32
      %ne3A_695 = arith.cmpi ne, %rem3A_693, %ne3A_694 : i32
      %lt3A_696 = arith.constant 0 : i32
      %lt3A_697 = arith.cmpi slt, %rem3A_693, %lt3A_696 : i32
      %lt3A_698 = arith.constant 0 : i32
      %lt3A_699 = arith.cmpi slt, %select_n3A_692, %lt3A_698 : i32
      %ne3A_700 = arith.xori %lt3A_697, %lt3A_699 : i1
      %and3A_701 = arith.andi %ne3A_700, %ne3A_695 : i1
      %add3A_702 = arith.addi %rem3A_693, %select_n3A_692 : i32
      %select_n3A_703 = arith.select %and3A_701, %add3A_702, %rem3A_693 : i32
      %add3A_704 = arith.addi %mul3A_687, %select_n3A_703 : i32
      %jit3A_705 = arith.constant 2 : i32
      %div3A_706 = arith.divsi %add3A_685, %jit3A_705 : i32
      %sign3A_707 = arith.constant 0 : i32
      %sign3A_708 = arith.cmpi sgt, %add3A_685, %sign3A_707 : i32
      %sign3A_709 = arith.extui %sign3A_708 : i1 to i32
      %sign3A_710 = arith.constant 0 : i32
      %sign3A_711 = arith.cmpi slt, %add3A_685, %sign3A_710 : i32
      %sign3A_712 = arith.extui %sign3A_711 : i1 to i32
      %sign3A_713 = arith.subi %sign3A_709, %sign3A_712 : i32
      %sign3A_714 = arith.constant 0 : i32
      %sign3A_715 = arith.cmpi sgt, %jit3A_705, %sign3A_714 : i32
      %sign3A_716 = arith.extui %sign3A_715 : i1 to i32
      %sign3A_717 = arith.constant 0 : i32
      %sign3A_718 = arith.cmpi slt, %jit3A_705, %sign3A_717 : i32
      %sign3A_719 = arith.extui %sign3A_718 : i1 to i32
      %sign3A_720 = arith.subi %sign3A_716, %sign3A_719 : i32
      %ne3A_721 = arith.cmpi ne, %sign3A_713, %sign3A_720 : i32
      %rem3A_722 = arith.remsi %add3A_685, %jit3A_705 : i32
      %ne3A_723 = arith.constant 0 : i32
      %ne3A_724 = arith.cmpi ne, %rem3A_722, %ne3A_723 : i32
      %and3A_725 = arith.andi %ne3A_721, %ne3A_724 : i1
      %sub3A_726 = arith.constant 1 : i32
      %sub3A_727 = arith.subi %div3A_706, %sub3A_726 : i32
      %select_n3A_728 = arith.select %and3A_725, %sub3A_727, %div3A_706 : i32
      %mul3A_729 = arith.constant 6400 : i32
      %mul3A_730 = arith.muli %select_n3A_728, %mul3A_729 : i32
      %add3A_731 = arith.constant 89600 : i32
      %add3A_732 = arith.addi %add3A_731, %mul3A_730 : i32
      %multiple_of3A_733 = tpu.assume_multiple %add3A_732, 128 : i32
      %dma_start3A_734 = arith.constant 0 : i32
      %dma_start3A_735 = arith.constant 0 : i32
      %dma_start3A_736 = tpu.memref_slice %arg16[%sub3A_6, %dma_start3A_734, %dma_start3A_735] : memref<2x8x6400xf32, #tpu.memory_space<vmem_shared>> -> memref<1x8x6400xf32, #tpu.memory_space<vmem_shared>>
      %dma_start3A_737 = tpu.memref_squeeze %dma_start3A_736 : memref<1x8x6400xf32, #tpu.memory_space<vmem_shared>> -> memref<8x6400xf32, #tpu.memory_space<vmem_shared>>
      %dma_start3A_738 = arith.constant 0 : i32
      %dma_start3A_739 = tpu.memref_slice %arg2[%add3A_704, %dma_start3A_738, %multiple_of3A_733] : memref<4x8x160000xf32, #tpu.memory_space<hbm>> -> memref<1x8x6400xf32, #tpu.memory_space<hbm>>
      %dma_start3A_740 = tpu.memref_squeeze %dma_start3A_739 : memref<1x8x6400xf32, #tpu.memory_space<hbm>> -> memref<8x6400xf32, #tpu.memory_space<hbm>>
      tpu.enqueue_dma source(%dma_start3A_740 : memref<8x6400xf32, #tpu.memory_space<hbm>>) target(%dma_start3A_737 : memref<8x6400xf32, #tpu.memory_space<vmem_shared>>) target_semaphore(%arg19 : memref<!tpu.dma_semaphore, #tpu.memory_space<semaphore_mem>>)
      %dma_wait3A_741 = arith.constant 0 : i32
      %dma_wait3A_742 = arith.constant 0 : i32
      %dma_wait3A_743 = tpu.memref_slice %arg18[%sub3A_6, %dma_wait3A_741, %dma_wait3A_742] : memref<2x8x6400xf32, #tpu.memory_space<vmem_shared>> -> memref<1x8x6400xf32, #tpu.memory_space<vmem_shared>>
      %dma_wait3A_744 = tpu.memref_squeeze %dma_wait3A_743 : memref<1x8x6400xf32, #tpu.memory_space<vmem_shared>> -> memref<8x6400xf32, #tpu.memory_space<vmem_shared>>
      %dma_wait3A_745 = arith.constant 0 : i32
      %dma_wait3A_746 = tpu.memref_slice %arg2[%add3A_576, %dma_wait3A_745, %multiple_of3A_605] : memref<4x8x160000xf32, #tpu.memory_space<hbm>> -> memref<1x8x6400xf32, #tpu.memory_space<hbm>>
      %dma_wait3A_747 = tpu.memref_squeeze %dma_wait3A_746 : memref<1x8x6400xf32, #tpu.memory_space<hbm>> -> memref<8x6400xf32, #tpu.memory_space<hbm>>
      tpu.wait_dma2 semaphore(%arg21 : memref<!tpu.dma_semaphore, #tpu.memory_space<semaphore_mem>>) src(%dma_wait3A_747 : memref<8x6400xf32, #tpu.memory_space<hbm>>) dst(%dma_wait3A_744 : memref<8x6400xf32, #tpu.memory_space<vmem_shared>>)
      %add3A_748 = arith.constant 10 : i32
      %add3A_749 = arith.addi %add3A_748, %sub3A_6 : i32
      %mul3A_750 = arith.constant 2 : i32
      %mul3A_751 = arith.muli %mul3A_750, %arg0 : i32
      %jit3A_752 = arith.constant 2 : i32
      %eq3A_753 = arith.constant 0 : i32
      %eq3A_754 = arith.cmpi eq, %jit3A_752, %eq3A_753 : i32
      %jit3A_755 = arith.constant 1 : i32
      %select_n3A_756 = arith.select %eq3A_754, %jit3A_755, %jit3A_752 : i32
      %rem3A_757 = arith.remsi %add3A_749, %select_n3A_756 : i32
      %ne3A_758 = arith.constant 0 : i32
      %ne3A_759 = arith.cmpi ne, %rem3A_757, %ne3A_758 : i32
      %lt3A_760 = arith.constant 0 : i32
      %lt3A_761 = arith.cmpi slt, %rem3A_757, %lt3A_760 : i32
      %lt3A_762 = arith.constant 0 : i32
      %lt3A_763 = arith.cmpi slt, %select_n3A_756, %lt3A_762 : i32
      %ne3A_764 = arith.xori %lt3A_761, %lt3A_763 : i1
      %and3A_765 = arith.andi %ne3A_764, %ne3A_759 : i1
      %add3A_766 = arith.addi %rem3A_757, %select_n3A_756 : i32
      %select_n3A_767 = arith.select %and3A_765, %add3A_766, %rem3A_757 : i32
      %add3A_768 = arith.addi %mul3A_751, %select_n3A_767 : i32
      %jit3A_769 = arith.constant 2 : i32
      %div3A_770 = arith.divsi %add3A_749, %jit3A_769 : i32
      %sign3A_771 = arith.constant 0 : i32
      %sign3A_772 = arith.cmpi sgt, %add3A_749, %sign3A_771 : i32
      %sign3A_773 = arith.extui %sign3A_772 : i1 to i32
      %sign3A_774 = arith.constant 0 : i32
      %sign3A_775 = arith.cmpi slt, %add3A_749, %sign3A_774 : i32
      %sign3A_776 = arith.extui %sign3A_775 : i1 to i32
      %sign3A_777 = arith.subi %sign3A_773, %sign3A_776 : i32
      %sign3A_778 = arith.constant 0 : i32
      %sign3A_779 = arith.cmpi sgt, %jit3A_769, %sign3A_778 : i32
      %sign3A_780 = arith.extui %sign3A_779 : i1 to i32
      %sign3A_781 = arith.constant 0 : i32
      %sign3A_782 = arith.cmpi slt, %jit3A_769, %sign3A_781 : i32
      %sign3A_783 = arith.extui %sign3A_782 : i1 to i32
      %sign3A_784 = arith.subi %sign3A_780, %sign3A_783 : i32
      %ne3A_785 = arith.cmpi ne, %sign3A_777, %sign3A_784 : i32
      %rem3A_786 = arith.remsi %add3A_749, %jit3A_769 : i32
      %ne3A_787 = arith.constant 0 : i32
      %ne3A_788 = arith.cmpi ne, %rem3A_786, %ne3A_787 : i32
      %and3A_789 = arith.andi %ne3A_785, %ne3A_788 : i1
      %sub3A_790 = arith.constant 1 : i32
      %sub3A_791 = arith.subi %div3A_770, %sub3A_790 : i32
      %select_n3A_792 = arith.select %and3A_789, %sub3A_791, %div3A_770 : i32
      %mul3A_793 = arith.constant 6400 : i32
      %mul3A_794 = arith.muli %select_n3A_792, %mul3A_793 : i32
      %add3A_795 = arith.constant 89600 : i32
      %add3A_796 = arith.addi %add3A_795, %mul3A_794 : i32
      %multiple_of3A_797 = tpu.assume_multiple %add3A_796, 128 : i32
      %dma_start3A_798 = arith.constant 0 : i32
      %dma_start3A_799 = tpu.memref_slice %arg3[%add3A_768, %dma_start3A_798, %multiple_of3A_797] : memref<4x8x160000xf32, #tpu.memory_space<hbm>> -> memref<1x8x6400xf32, #tpu.memory_space<hbm>>
      %dma_start3A_800 = tpu.memref_squeeze %dma_start3A_799 : memref<1x8x6400xf32, #tpu.memory_space<hbm>> -> memref<8x6400xf32, #tpu.memory_space<hbm>>
      %dma_start3A_801 = arith.constant 0 : i32
      %dma_start3A_802 = arith.constant 0 : i32
      %dma_start3A_803 = tpu.memref_slice %arg18[%sub3A_6, %dma_start3A_801, %dma_start3A_802] : memref<2x8x6400xf32, #tpu.memory_space<vmem_shared>> -> memref<1x8x6400xf32, #tpu.memory_space<vmem_shared>>
      %dma_start3A_804 = tpu.memref_squeeze %dma_start3A_803 : memref<1x8x6400xf32, #tpu.memory_space<vmem_shared>> -> memref<8x6400xf32, #tpu.memory_space<vmem_shared>>
      tpu.enqueue_dma source(%dma_start3A_804 : memref<8x6400xf32, #tpu.memory_space<vmem_shared>>) target(%dma_start3A_800 : memref<8x6400xf32, #tpu.memory_space<hbm>>) target_semaphore(%arg24 : memref<!tpu.dma_semaphore, #tpu.memory_space<semaphore_mem>>)
      %dma_wait3A_805 = arith.constant 0 : i32
      %dma_wait3A_806 = tpu.memref_slice %arg3[%add3A_640, %dma_wait3A_805, %multiple_of3A_669] : memref<4x8x160000xf32, #tpu.memory_space<hbm>> -> memref<1x8x6400xf32, #tpu.memory_space<hbm>>
      %dma_wait3A_807 = tpu.memref_squeeze %dma_wait3A_806 : memref<1x8x6400xf32, #tpu.memory_space<hbm>> -> memref<8x6400xf32, #tpu.memory_space<hbm>>
      %dma_wait3A_808 = arith.constant 0 : i32
      %dma_wait3A_809 = arith.constant 0 : i32
      %dma_wait3A_810 = tpu.memref_slice %arg17[%sub3A_6, %dma_wait3A_808, %dma_wait3A_809] : memref<2x8x6400xf32, #tpu.memory_space<vmem_shared>> -> memref<1x8x6400xf32, #tpu.memory_space<vmem_shared>>
      %dma_wait3A_811 = tpu.memref_squeeze %dma_wait3A_810 : memref<1x8x6400xf32, #tpu.memory_space<vmem_shared>> -> memref<8x6400xf32, #tpu.memory_space<vmem_shared>>
      tpu.wait_dma2 semaphore(%arg23 : memref<!tpu.dma_semaphore, #tpu.memory_space<semaphore_mem>>) src(%dma_wait3A_811 : memref<8x6400xf32, #tpu.memory_space<vmem_shared>>) dst(%dma_wait3A_807 : memref<8x6400xf32, #tpu.memory_space<hbm>>)
      %add3A_812 = arith.constant 14 : i32
      %add3A_813 = arith.addi %add3A_812, %sub3A_6 : i32
      %mul3A_814 = arith.constant 2 : i32
      %mul3A_815 = arith.muli %mul3A_814, %arg0 : i32
      %jit3A_816 = arith.constant 2 : i32
      %eq3A_817 = arith.constant 0 : i32
      %eq3A_818 = arith.cmpi eq, %jit3A_816, %eq3A_817 : i32
      %jit3A_819 = arith.constant 1 : i32
      %select_n3A_820 = arith.select %eq3A_818, %jit3A_819, %jit3A_816 : i32
      %rem3A_821 = arith.remsi %add3A_813, %select_n3A_820 : i32
      %ne3A_822 = arith.constant 0 : i32
      %ne3A_823 = arith.cmpi ne, %rem3A_821, %ne3A_822 : i32
      %lt3A_824 = arith.constant 0 : i32
      %lt3A_825 = arith.cmpi slt, %rem3A_821, %lt3A_824 : i32
      %lt3A_826 = arith.constant 0 : i32
      %lt3A_827 = arith.cmpi slt, %select_n3A_820, %lt3A_826 : i32
      %ne3A_828 = arith.xori %lt3A_825, %lt3A_827 : i1
      %and3A_829 = arith.andi %ne3A_828, %ne3A_823 : i1
      %add3A_830 = arith.addi %rem3A_821, %select_n3A_820 : i32
      %select_n3A_831 = arith.select %and3A_829, %add3A_830, %rem3A_821 : i32
      %add3A_832 = arith.addi %mul3A_815, %select_n3A_831 : i32
      %jit3A_833 = arith.constant 2 : i32
      %div3A_834 = arith.divsi %add3A_813, %jit3A_833 : i32
      %sign3A_835 = arith.constant 0 : i32
      %sign3A_836 = arith.cmpi sgt, %add3A_813, %sign3A_835 : i32
      %sign3A_837 = arith.extui %sign3A_836 : i1 to i32
      %sign3A_838 = arith.constant 0 : i32
      %sign3A_839 = arith.cmpi slt, %add3A_813, %sign3A_838 : i32
      %sign3A_840 = arith.extui %sign3A_839 : i1 to i32
      %sign3A_841 = arith.subi %sign3A_837, %sign3A_840 : i32
      %sign3A_842 = arith.constant 0 : i32
      %sign3A_843 = arith.cmpi sgt, %jit3A_833, %sign3A_842 : i32
      %sign3A_844 = arith.extui %sign3A_843 : i1 to i32
      %sign3A_845 = arith.constant 0 : i32
      %sign3A_846 = arith.cmpi slt, %jit3A_833, %sign3A_845 : i32
      %sign3A_847 = arith.extui %sign3A_846 : i1 to i32
      %sign3A_848 = arith.subi %sign3A_844, %sign3A_847 : i32
      %ne3A_849 = arith.cmpi ne, %sign3A_841, %sign3A_848 : i32
      %rem3A_850 = arith.remsi %add3A_813, %jit3A_833 : i32
      %ne3A_851 = arith.constant 0 : i32
      %ne3A_852 = arith.cmpi ne, %rem3A_850, %ne3A_851 : i32
      %and3A_853 = arith.andi %ne3A_849, %ne3A_852 : i1
      %sub3A_854 = arith.constant 1 : i32
      %sub3A_855 = arith.subi %div3A_834, %sub3A_854 : i32
      %select_n3A_856 = arith.select %and3A_853, %sub3A_855, %div3A_834 : i32
      %mul3A_857 = arith.constant 6400 : i32
      %mul3A_858 = arith.muli %select_n3A_856, %mul3A_857 : i32
      %add3A_859 = arith.constant 89600 : i32
      %add3A_860 = arith.addi %add3A_859, %mul3A_858 : i32
      %multiple_of3A_861 = tpu.assume_multiple %add3A_860, 128 : i32
      %dma_start3A_862 = arith.constant 0 : i32
      %dma_start3A_863 = arith.constant 0 : i32
      %dma_start3A_864 = tpu.memref_slice %arg17[%sub3A_6, %dma_start3A_862, %dma_start3A_863] : memref<2x8x6400xf32, #tpu.memory_space<vmem_shared>> -> memref<1x8x6400xf32, #tpu.memory_space<vmem_shared>>
      %dma_start3A_865 = tpu.memref_squeeze %dma_start3A_864 : memref<1x8x6400xf32, #tpu.memory_space<vmem_shared>> -> memref<8x6400xf32, #tpu.memory_space<vmem_shared>>
      %dma_start3A_866 = arith.constant 0 : i32
      %dma_start3A_867 = tpu.memref_slice %arg2[%add3A_832, %dma_start3A_866, %multiple_of3A_861] : memref<4x8x160000xf32, #tpu.memory_space<hbm>> -> memref<1x8x6400xf32, #tpu.memory_space<hbm>>
      %dma_start3A_868 = tpu.memref_squeeze %dma_start3A_867 : memref<1x8x6400xf32, #tpu.memory_space<hbm>> -> memref<8x6400xf32, #tpu.memory_space<hbm>>
      tpu.enqueue_dma source(%dma_start3A_868 : memref<8x6400xf32, #tpu.memory_space<hbm>>) target(%dma_start3A_865 : memref<8x6400xf32, #tpu.memory_space<vmem_shared>>) target_semaphore(%arg20 : memref<!tpu.dma_semaphore, #tpu.memory_space<semaphore_mem>>)
      %dma_wait3A_869 = arith.constant 0 : i32
      %dma_wait3A_870 = arith.constant 0 : i32
      %dma_wait3A_871 = tpu.memref_slice %arg16[%sub3A_6, %dma_wait3A_869, %dma_wait3A_870] : memref<2x8x6400xf32, #tpu.memory_space<vmem_shared>> -> memref<1x8x6400xf32, #tpu.memory_space<vmem_shared>>
      %dma_wait3A_872 = tpu.memref_squeeze %dma_wait3A_871 : memref<1x8x6400xf32, #tpu.memory_space<vmem_shared>> -> memref<8x6400xf32, #tpu.memory_space<vmem_shared>>
      %dma_wait3A_873 = arith.constant 0 : i32
      %dma_wait3A_874 = tpu.memref_slice %arg2[%add3A_704, %dma_wait3A_873, %multiple_of3A_733] : memref<4x8x160000xf32, #tpu.memory_space<hbm>> -> memref<1x8x6400xf32, #tpu.memory_space<hbm>>
      %dma_wait3A_875 = tpu.memref_squeeze %dma_wait3A_874 : memref<1x8x6400xf32, #tpu.memory_space<hbm>> -> memref<8x6400xf32, #tpu.memory_space<hbm>>
      tpu.wait_dma2 semaphore(%arg19 : memref<!tpu.dma_semaphore, #tpu.memory_space<semaphore_mem>>) src(%dma_wait3A_875 : memref<8x6400xf32, #tpu.memory_space<hbm>>) dst(%dma_wait3A_872 : memref<8x6400xf32, #tpu.memory_space<vmem_shared>>)
      %add3A_876 = arith.constant 12 : i32
      %add3A_877 = arith.addi %add3A_876, %sub3A_6 : i32
      %mul3A_878 = arith.constant 2 : i32
      %mul3A_879 = arith.muli %mul3A_878, %arg0 : i32
      %jit3A_880 = arith.constant 2 : i32
      %eq3A_881 = arith.constant 0 : i32
      %eq3A_882 = arith.cmpi eq, %jit3A_880, %eq3A_881 : i32
      %jit3A_883 = arith.constant 1 : i32
      %select_n3A_884 = arith.select %eq3A_882, %jit3A_883, %jit3A_880 : i32
      %rem3A_885 = arith.remsi %add3A_877, %select_n3A_884 : i32
      %ne3A_886 = arith.constant 0 : i32
      %ne3A_887 = arith.cmpi ne, %rem3A_885, %ne3A_886 : i32
      %lt3A_888 = arith.constant 0 : i32
      %lt3A_889 = arith.cmpi slt, %rem3A_885, %lt3A_888 : i32
      %lt3A_890 = arith.constant 0 : i32
      %lt3A_891 = arith.cmpi slt, %select_n3A_884, %lt3A_890 : i32
      %ne3A_892 = arith.xori %lt3A_889, %lt3A_891 : i1
      %and3A_893 = arith.andi %ne3A_892, %ne3A_887 : i1
      %add3A_894 = arith.addi %rem3A_885, %select_n3A_884 : i32
      %select_n3A_895 = arith.select %and3A_893, %add3A_894, %rem3A_885 : i32
      %add3A_896 = arith.addi %mul3A_879, %select_n3A_895 : i32
      %jit3A_897 = arith.constant 2 : i32
      %div3A_898 = arith.divsi %add3A_877, %jit3A_897 : i32
      %sign3A_899 = arith.constant 0 : i32
      %sign3A_900 = arith.cmpi sgt, %add3A_877, %sign3A_899 : i32
      %sign3A_901 = arith.extui %sign3A_900 : i1 to i32
      %sign3A_902 = arith.constant 0 : i32
      %sign3A_903 = arith.cmpi slt, %add3A_877, %sign3A_902 : i32
      %sign3A_904 = arith.extui %sign3A_903 : i1 to i32
      %sign3A_905 = arith.subi %sign3A_901, %sign3A_904 : i32
      %sign3A_906 = arith.constant 0 : i32
      %sign3A_907 = arith.cmpi sgt, %jit3A_897, %sign3A_906 : i32
      %sign3A_908 = arith.extui %sign3A_907 : i1 to i32
      %sign3A_909 = arith.constant 0 : i32
      %sign3A_910 = arith.cmpi slt, %jit3A_897, %sign3A_909 : i32
      %sign3A_911 = arith.extui %sign3A_910 : i1 to i32
      %sign3A_912 = arith.subi %sign3A_908, %sign3A_911 : i32
      %ne3A_913 = arith.cmpi ne, %sign3A_905, %sign3A_912 : i32
      %rem3A_914 = arith.remsi %add3A_877, %jit3A_897 : i32
      %ne3A_915 = arith.constant 0 : i32
      %ne3A_916 = arith.cmpi ne, %rem3A_914, %ne3A_915 : i32
      %and3A_917 = arith.andi %ne3A_913, %ne3A_916 : i1
      %sub3A_918 = arith.constant 1 : i32
      %sub3A_919 = arith.subi %div3A_898, %sub3A_918 : i32
      %select_n3A_920 = arith.select %and3A_917, %sub3A_919, %div3A_898 : i32
      %mul3A_921 = arith.constant 6400 : i32
      %mul3A_922 = arith.muli %select_n3A_920, %mul3A_921 : i32
      %add3A_923 = arith.constant 89600 : i32
      %add3A_924 = arith.addi %add3A_923, %mul3A_922 : i32
      %multiple_of3A_925 = tpu.assume_multiple %add3A_924, 128 : i32
      %dma_start3A_926 = arith.constant 0 : i32
      %dma_start3A_927 = tpu.memref_slice %arg3[%add3A_896, %dma_start3A_926, %multiple_of3A_925] : memref<4x8x160000xf32, #tpu.memory_space<hbm>> -> memref<1x8x6400xf32, #tpu.memory_space<hbm>>
      %dma_start3A_928 = tpu.memref_squeeze %dma_start3A_927 : memref<1x8x6400xf32, #tpu.memory_space<hbm>> -> memref<8x6400xf32, #tpu.memory_space<hbm>>
      %dma_start3A_929 = arith.constant 0 : i32
      %dma_start3A_930 = arith.constant 0 : i32
      %dma_start3A_931 = tpu.memref_slice %arg16[%sub3A_6, %dma_start3A_929, %dma_start3A_930] : memref<2x8x6400xf32, #tpu.memory_space<vmem_shared>> -> memref<1x8x6400xf32, #tpu.memory_space<vmem_shared>>
      %dma_start3A_932 = tpu.memref_squeeze %dma_start3A_931 : memref<1x8x6400xf32, #tpu.memory_space<vmem_shared>> -> memref<8x6400xf32, #tpu.memory_space<vmem_shared>>
      tpu.enqueue_dma source(%dma_start3A_932 : memref<8x6400xf32, #tpu.memory_space<vmem_shared>>) target(%dma_start3A_928 : memref<8x6400xf32, #tpu.memory_space<hbm>>) target_semaphore(%arg22 : memref<!tpu.dma_semaphore, #tpu.memory_space<semaphore_mem>>)
      %dma_wait3A_933 = arith.constant 0 : i32
      %dma_wait3A_934 = tpu.memref_slice %arg3[%add3A_768, %dma_wait3A_933, %multiple_of3A_797] : memref<4x8x160000xf32, #tpu.memory_space<hbm>> -> memref<1x8x6400xf32, #tpu.memory_space<hbm>>
      %dma_wait3A_935 = tpu.memref_squeeze %dma_wait3A_934 : memref<1x8x6400xf32, #tpu.memory_space<hbm>> -> memref<8x6400xf32, #tpu.memory_space<hbm>>
      %dma_wait3A_936 = arith.constant 0 : i32
      %dma_wait3A_937 = arith.constant 0 : i32
      %dma_wait3A_938 = tpu.memref_slice %arg18[%sub3A_6, %dma_wait3A_936, %dma_wait3A_937] : memref<2x8x6400xf32, #tpu.memory_space<vmem_shared>> -> memref<1x8x6400xf32, #tpu.memory_space<vmem_shared>>
      %dma_wait3A_939 = tpu.memref_squeeze %dma_wait3A_938 : memref<1x8x6400xf32, #tpu.memory_space<vmem_shared>> -> memref<8x6400xf32, #tpu.memory_space<vmem_shared>>
      tpu.wait_dma2 semaphore(%arg24 : memref<!tpu.dma_semaphore, #tpu.memory_space<semaphore_mem>>) src(%dma_wait3A_939 : memref<8x6400xf32, #tpu.memory_space<vmem_shared>>) dst(%dma_wait3A_935 : memref<8x6400xf32, #tpu.memory_space<hbm>>)
      %add3A_940 = arith.constant 16 : i32
      %add3A_941 = arith.addi %add3A_940, %sub3A_6 : i32
      %mul3A_942 = arith.constant 2 : i32
      %mul3A_943 = arith.muli %mul3A_942, %arg0 : i32
      %jit3A_944 = arith.constant 2 : i32
      %eq3A_945 = arith.constant 0 : i32
      %eq3A_946 = arith.cmpi eq, %jit3A_944, %eq3A_945 : i32
      %jit3A_947 = arith.constant 1 : i32
      %select_n3A_948 = arith.select %eq3A_946, %jit3A_947, %jit3A_944 : i32
      %rem3A_949 = arith.remsi %add3A_941, %select_n3A_948 : i32
      %ne3A_950 = arith.constant 0 : i32
      %ne3A_951 = arith.cmpi ne, %rem3A_949, %ne3A_950 : i32
      %lt3A_952 = arith.constant 0 : i32
      %lt3A_953 = arith.cmpi slt, %rem3A_949, %lt3A_952 : i32
      %lt3A_954 = arith.constant 0 : i32
      %lt3A_955 = arith.cmpi slt, %select_n3A_948, %lt3A_954 : i32
      %ne3A_956 = arith.xori %lt3A_953, %lt3A_955 : i1
      %and3A_957 = arith.andi %ne3A_956, %ne3A_951 : i1
      %add3A_958 = arith.addi %rem3A_949, %select_n3A_948 : i32
      %select_n3A_959 = arith.select %and3A_957, %add3A_958, %rem3A_949 : i32
      %add3A_960 = arith.addi %mul3A_943, %select_n3A_959 : i32
      %jit3A_961 = arith.constant 2 : i32
      %div3A_962 = arith.divsi %add3A_941, %jit3A_961 : i32
      %sign3A_963 = arith.constant 0 : i32
      %sign3A_964 = arith.cmpi sgt, %add3A_941, %sign3A_963 : i32
      %sign3A_965 = arith.extui %sign3A_964 : i1 to i32
      %sign3A_966 = arith.constant 0 : i32
      %sign3A_967 = arith.cmpi slt, %add3A_941, %sign3A_966 : i32
      %sign3A_968 = arith.extui %sign3A_967 : i1 to i32
      %sign3A_969 = arith.subi %sign3A_965, %sign3A_968 : i32
      %sign3A_970 = arith.constant 0 : i32
      %sign3A_971 = arith.cmpi sgt, %jit3A_961, %sign3A_970 : i32
      %sign3A_972 = arith.extui %sign3A_971 : i1 to i32
      %sign3A_973 = arith.constant 0 : i32
      %sign3A_974 = arith.cmpi slt, %jit3A_961, %sign3A_973 : i32
      %sign3A_975 = arith.extui %sign3A_974 : i1 to i32
      %sign3A_976 = arith.subi %sign3A_972, %sign3A_975 : i32
      %ne3A_977 = arith.cmpi ne, %sign3A_969, %sign3A_976 : i32
      %rem3A_978 = arith.remsi %add3A_941, %jit3A_961 : i32
      %ne3A_979 = arith.constant 0 : i32
      %ne3A_980 = arith.cmpi ne, %rem3A_978, %ne3A_979 : i32
      %and3A_981 = arith.andi %ne3A_977, %ne3A_980 : i1
      %sub3A_982 = arith.constant 1 : i32
      %sub3A_983 = arith.subi %div3A_962, %sub3A_982 : i32
      %select_n3A_984 = arith.select %and3A_981, %sub3A_983, %div3A_962 : i32
      %mul3A_985 = arith.constant 6400 : i32
      %mul3A_986 = arith.muli %select_n3A_984, %mul3A_985 : i32
      %add3A_987 = arith.constant 89600 : i32
      %add3A_988 = arith.addi %add3A_987, %mul3A_986 : i32
      %multiple_of3A_989 = tpu.assume_multiple %add3A_988, 128 : i32
      %dma_start3A_990 = arith.constant 0 : i32
      %dma_start3A_991 = arith.constant 0 : i32
      %dma_start3A_992 = tpu.memref_slice %arg18[%sub3A_6, %dma_start3A_990, %dma_start3A_991] : memref<2x8x6400xf32, #tpu.memory_space<vmem_shared>> -> memref<1x8x6400xf32, #tpu.memory_space<vmem_shared>>
      %dma_start3A_993 = tpu.memref_squeeze %dma_start3A_992 : memref<1x8x6400xf32, #tpu.memory_space<vmem_shared>> -> memref<8x6400xf32, #tpu.memory_space<vmem_shared>>
      %dma_start3A_994 = arith.constant 0 : i32
      %dma_start3A_995 = tpu.memref_slice %arg2[%add3A_960, %dma_start3A_994, %multiple_of3A_989] : memref<4x8x160000xf32, #tpu.memory_space<hbm>> -> memref<1x8x6400xf32, #tpu.memory_space<hbm>>
      %dma_start3A_996 = tpu.memref_squeeze %dma_start3A_995 : memref<1x8x6400xf32, #tpu.memory_space<hbm>> -> memref<8x6400xf32, #tpu.memory_space<hbm>>
      tpu.enqueue_dma source(%dma_start3A_996 : memref<8x6400xf32, #tpu.memory_space<hbm>>) target(%dma_start3A_993 : memref<8x6400xf32, #tpu.memory_space<vmem_shared>>) target_semaphore(%arg21 : memref<!tpu.dma_semaphore, #tpu.memory_space<semaphore_mem>>)
      %dma_wait3A_997 = arith.constant 0 : i32
      %dma_wait3A_998 = arith.constant 0 : i32
      %dma_wait3A_999 = tpu.memref_slice %arg17[%sub3A_6, %dma_wait3A_997, %dma_wait3A_998] : memref<2x8x6400xf32, #tpu.memory_space<vmem_shared>> -> memref<1x8x6400xf32, #tpu.memory_space<vmem_shared>>
      %dma_wait3A_1000 = tpu.memref_squeeze %dma_wait3A_999 : memref<1x8x6400xf32, #tpu.memory_space<vmem_shared>> -> memref<8x6400xf32, #tpu.memory_space<vmem_shared>>
      %dma_wait3A_1001 = arith.constant 0 : i32
      %dma_wait3A_1002 = tpu.memref_slice %arg2[%add3A_832, %dma_wait3A_1001, %multiple_of3A_861] : memref<4x8x160000xf32, #tpu.memory_space<hbm>> -> memref<1x8x6400xf32, #tpu.memory_space<hbm>>
      %dma_wait3A_1003 = tpu.memref_squeeze %dma_wait3A_1002 : memref<1x8x6400xf32, #tpu.memory_space<hbm>> -> memref<8x6400xf32, #tpu.memory_space<hbm>>
      tpu.wait_dma2 semaphore(%arg20 : memref<!tpu.dma_semaphore, #tpu.memory_space<semaphore_mem>>) src(%dma_wait3A_1003 : memref<8x6400xf32, #tpu.memory_space<hbm>>) dst(%dma_wait3A_1000 : memref<8x6400xf32, #tpu.memory_space<vmem_shared>>)
      %add3A_1004 = arith.constant 14 : i32
      %add3A_1005 = arith.addi %add3A_1004, %sub3A_6 : i32
      %mul3A_1006 = arith.constant 2 : i32
      %mul3A_1007 = arith.muli %mul3A_1006, %arg0 : i32
      %jit3A_1008 = arith.constant 2 : i32
      %eq3A_1009 = arith.constant 0 : i32
      %eq3A_1010 = arith.cmpi eq, %jit3A_1008, %eq3A_1009 : i32
      %jit3A_1011 = arith.constant 1 : i32
      %select_n3A_1012 = arith.select %eq3A_1010, %jit3A_1011, %jit3A_1008 : i32
      %rem3A_1013 = arith.remsi %add3A_1005, %select_n3A_1012 : i32
      %ne3A_1014 = arith.constant 0 : i32
      %ne3A_1015 = arith.cmpi ne, %rem3A_1013, %ne3A_1014 : i32
      %lt3A_1016 = arith.constant 0 : i32
      %lt3A_1017 = arith.cmpi slt, %rem3A_1013, %lt3A_1016 : i32
      %lt3A_1018 = arith.constant 0 : i32
      %lt3A_1019 = arith.cmpi slt, %select_n3A_1012, %lt3A_1018 : i32
      %ne3A_1020 = arith.xori %lt3A_1017, %lt3A_1019 : i1
      %and3A_1021 = arith.andi %ne3A_1020, %ne3A_1015 : i1
      %add3A_1022 = arith.addi %rem3A_1013, %select_n3A_1012 : i32
      %select_n3A_1023 = arith.select %and3A_1021, %add3A_1022, %rem3A_1013 : i32
      %add3A_1024 = arith.addi %mul3A_1007, %select_n3A_1023 : i32
      %jit3A_1025 = arith.constant 2 : i32
      %div3A_1026 = arith.divsi %add3A_1005, %jit3A_1025 : i32
      %sign3A_1027 = arith.constant 0 : i32
      %sign3A_1028 = arith.cmpi sgt, %add3A_1005, %sign3A_1027 : i32
      %sign3A_1029 = arith.extui %sign3A_1028 : i1 to i32
      %sign3A_1030 = arith.constant 0 : i32
      %sign3A_1031 = arith.cmpi slt, %add3A_1005, %sign3A_1030 : i32
      %sign3A_1032 = arith.extui %sign3A_1031 : i1 to i32
      %sign3A_1033 = arith.subi %sign3A_1029, %sign3A_1032 : i32
      %sign3A_1034 = arith.constant 0 : i32
      %sign3A_1035 = arith.cmpi sgt, %jit3A_1025, %sign3A_1034 : i32
      %sign3A_1036 = arith.extui %sign3A_1035 : i1 to i32
      %sign3A_1037 = arith.constant 0 : i32
      %sign3A_1038 = arith.cmpi slt, %jit3A_1025, %sign3A_1037 : i32
      %sign3A_1039 = arith.extui %sign3A_1038 : i1 to i32
      %sign3A_1040 = arith.subi %sign3A_1036, %sign3A_1039 : i32
      %ne3A_1041 = arith.cmpi ne, %sign3A_1033, %sign3A_1040 : i32
      %rem3A_1042 = arith.remsi %add3A_1005, %jit3A_1025 : i32
      %ne3A_1043 = arith.constant 0 : i32
      %ne3A_1044 = arith.cmpi ne, %rem3A_1042, %ne3A_1043 : i32
      %and3A_1045 = arith.andi %ne3A_1041, %ne3A_1044 : i1
      %sub3A_1046 = arith.constant 1 : i32
      %sub3A_1047 = arith.subi %div3A_1026, %sub3A_1046 : i32
      %select_n3A_1048 = arith.select %and3A_1045, %sub3A_1047, %div3A_1026 : i32
      %mul3A_1049 = arith.constant 6400 : i32
      %mul3A_1050 = arith.muli %select_n3A_1048, %mul3A_1049 : i32
      %add3A_1051 = arith.constant 89600 : i32
      %add3A_1052 = arith.addi %add3A_1051, %mul3A_1050 : i32
      %multiple_of3A_1053 = tpu.assume_multiple %add3A_1052, 128 : i32
      %dma_start3A_1054 = arith.constant 0 : i32
      %dma_start3A_1055 = tpu.memref_slice %arg3[%add3A_1024, %dma_start3A_1054, %multiple_of3A_1053] : memref<4x8x160000xf32, #tpu.memory_space<hbm>> -> memref<1x8x6400xf32, #tpu.memory_space<hbm>>
      %dma_start3A_1056 = tpu.memref_squeeze %dma_start3A_1055 : memref<1x8x6400xf32, #tpu.memory_space<hbm>> -> memref<8x6400xf32, #tpu.memory_space<hbm>>
      %dma_start3A_1057 = arith.constant 0 : i32
      %dma_start3A_1058 = arith.constant 0 : i32
      %dma_start3A_1059 = tpu.memref_slice %arg17[%sub3A_6, %dma_start3A_1057, %dma_start3A_1058] : memref<2x8x6400xf32, #tpu.memory_space<vmem_shared>> -> memref<1x8x6400xf32, #tpu.memory_space<vmem_shared>>
      %dma_start3A_1060 = tpu.memref_squeeze %dma_start3A_1059 : memref<1x8x6400xf32, #tpu.memory_space<vmem_shared>> -> memref<8x6400xf32, #tpu.memory_space<vmem_shared>>
      tpu.enqueue_dma source(%dma_start3A_1060 : memref<8x6400xf32, #tpu.memory_space<vmem_shared>>) target(%dma_start3A_1056 : memref<8x6400xf32, #tpu.memory_space<hbm>>) target_semaphore(%arg23 : memref<!tpu.dma_semaphore, #tpu.memory_space<semaphore_mem>>)
      %dma_wait3A_1061 = arith.constant 0 : i32
      %dma_wait3A_1062 = tpu.memref_slice %arg3[%add3A_896, %dma_wait3A_1061, %multiple_of3A_925] : memref<4x8x160000xf32, #tpu.memory_space<hbm>> -> memref<1x8x6400xf32, #tpu.memory_space<hbm>>
      %dma_wait3A_1063 = tpu.memref_squeeze %dma_wait3A_1062 : memref<1x8x6400xf32, #tpu.memory_space<hbm>> -> memref<8x6400xf32, #tpu.memory_space<hbm>>
      %dma_wait3A_1064 = arith.constant 0 : i32
      %dma_wait3A_1065 = arith.constant 0 : i32
      %dma_wait3A_1066 = tpu.memref_slice %arg16[%sub3A_6, %dma_wait3A_1064, %dma_wait3A_1065] : memref<2x8x6400xf32, #tpu.memory_space<vmem_shared>> -> memref<1x8x6400xf32, #tpu.memory_space<vmem_shared>>
      %dma_wait3A_1067 = tpu.memref_squeeze %dma_wait3A_1066 : memref<1x8x6400xf32, #tpu.memory_space<vmem_shared>> -> memref<8x6400xf32, #tpu.memory_space<vmem_shared>>
      tpu.wait_dma2 semaphore(%arg22 : memref<!tpu.dma_semaphore, #tpu.memory_space<semaphore_mem>>) src(%dma_wait3A_1067 : memref<8x6400xf32, #tpu.memory_space<vmem_shared>>) dst(%dma_wait3A_1063 : memref<8x6400xf32, #tpu.memory_space<hbm>>)
      %add3A_1068 = arith.constant 18 : i32
      %add3A_1069 = arith.addi %add3A_1068, %sub3A_6 : i32
      %mul3A_1070 = arith.constant 2 : i32
      %mul3A_1071 = arith.muli %mul3A_1070, %arg0 : i32
      %jit3A_1072 = arith.constant 2 : i32
      %eq3A_1073 = arith.constant 0 : i32
      %eq3A_1074 = arith.cmpi eq, %jit3A_1072, %eq3A_1073 : i32
      %jit3A_1075 = arith.constant 1 : i32
      %select_n3A_1076 = arith.select %eq3A_1074, %jit3A_1075, %jit3A_1072 : i32
      %rem3A_1077 = arith.remsi %add3A_1069, %select_n3A_1076 : i32
      %ne3A_1078 = arith.constant 0 : i32
      %ne3A_1079 = arith.cmpi ne, %rem3A_1077, %ne3A_1078 : i32
      %lt3A_1080 = arith.constant 0 : i32
      %lt3A_1081 = arith.cmpi slt, %rem3A_1077, %lt3A_1080 : i32
      %lt3A_1082 = arith.constant 0 : i32
      %lt3A_1083 = arith.cmpi slt, %select_n3A_1076, %lt3A_1082 : i32
      %ne3A_1084 = arith.xori %lt3A_1081, %lt3A_1083 : i1
      %and3A_1085 = arith.andi %ne3A_1084, %ne3A_1079 : i1
      %add3A_1086 = arith.addi %rem3A_1077, %select_n3A_1076 : i32
      %select_n3A_1087 = arith.select %and3A_1085, %add3A_1086, %rem3A_1077 : i32
      %add3A_1088 = arith.addi %mul3A_1071, %select_n3A_1087 : i32
      %jit3A_1089 = arith.constant 2 : i32
      %div3A_1090 = arith.divsi %add3A_1069, %jit3A_1089 : i32
      %sign3A_1091 = arith.constant 0 : i32
      %sign3A_1092 = arith.cmpi sgt, %add3A_1069, %sign3A_1091 : i32
      %sign3A_1093 = arith.extui %sign3A_1092 : i1 to i32
      %sign3A_1094 = arith.constant 0 : i32
      %sign3A_1095 = arith.cmpi slt, %add3A_1069, %sign3A_1094 : i32
      %sign3A_1096 = arith.extui %sign3A_1095 : i1 to i32
      %sign3A_1097 = arith.subi %sign3A_1093, %sign3A_1096 : i32
      %sign3A_1098 = arith.constant 0 : i32
      %sign3A_1099 = arith.cmpi sgt, %jit3A_1089, %sign3A_1098 : i32
      %sign3A_1100 = arith.extui %sign3A_1099 : i1 to i32
      %sign3A_1101 = arith.constant 0 : i32
      %sign3A_1102 = arith.cmpi slt, %jit3A_1089, %sign3A_1101 : i32
      %sign3A_1103 = arith.extui %sign3A_1102 : i1 to i32
      %sign3A_1104 = arith.subi %sign3A_1100, %sign3A_1103 : i32
      %ne3A_1105 = arith.cmpi ne, %sign3A_1097, %sign3A_1104 : i32
      %rem3A_1106 = arith.remsi %add3A_1069, %jit3A_1089 : i32
      %ne3A_1107 = arith.constant 0 : i32
      %ne3A_1108 = arith.cmpi ne, %rem3A_1106, %ne3A_1107 : i32
      %and3A_1109 = arith.andi %ne3A_1105, %ne3A_1108 : i1
      %sub3A_1110 = arith.constant 1 : i32
      %sub3A_1111 = arith.subi %div3A_1090, %sub3A_1110 : i32
      %select_n3A_1112 = arith.select %and3A_1109, %sub3A_1111, %div3A_1090 : i32
      %mul3A_1113 = arith.constant 6400 : i32
      %mul3A_1114 = arith.muli %select_n3A_1112, %mul3A_1113 : i32
      %add3A_1115 = arith.constant 89600 : i32
      %add3A_1116 = arith.addi %add3A_1115, %mul3A_1114 : i32
      %multiple_of3A_1117 = tpu.assume_multiple %add3A_1116, 128 : i32
      %dma_start3A_1118 = arith.constant 0 : i32
      %dma_start3A_1119 = arith.constant 0 : i32
      %dma_start3A_1120 = tpu.memref_slice %arg16[%sub3A_6, %dma_start3A_1118, %dma_start3A_1119] : memref<2x8x6400xf32, #tpu.memory_space<vmem_shared>> -> memref<1x8x6400xf32, #tpu.memory_space<vmem_shared>>
      %dma_start3A_1121 = tpu.memref_squeeze %dma_start3A_1120 : memref<1x8x6400xf32, #tpu.memory_space<vmem_shared>> -> memref<8x6400xf32, #tpu.memory_space<vmem_shared>>
      %dma_start3A_1122 = arith.constant 0 : i32
      %dma_start3A_1123 = tpu.memref_slice %arg2[%add3A_1088, %dma_start3A_1122, %multiple_of3A_1117] : memref<4x8x160000xf32, #tpu.memory_space<hbm>> -> memref<1x8x6400xf32, #tpu.memory_space<hbm>>
      %dma_start3A_1124 = tpu.memref_squeeze %dma_start3A_1123 : memref<1x8x6400xf32, #tpu.memory_space<hbm>> -> memref<8x6400xf32, #tpu.memory_space<hbm>>
      tpu.enqueue_dma source(%dma_start3A_1124 : memref<8x6400xf32, #tpu.memory_space<hbm>>) target(%dma_start3A_1121 : memref<8x6400xf32, #tpu.memory_space<vmem_shared>>) target_semaphore(%arg19 : memref<!tpu.dma_semaphore, #tpu.memory_space<semaphore_mem>>)
      %dma_wait3A_1125 = arith.constant 0 : i32
      %dma_wait3A_1126 = arith.constant 0 : i32
      %dma_wait3A_1127 = tpu.memref_slice %arg18[%sub3A_6, %dma_wait3A_1125, %dma_wait3A_1126] : memref<2x8x6400xf32, #tpu.memory_space<vmem_shared>> -> memref<1x8x6400xf32, #tpu.memory_space<vmem_shared>>
      %dma_wait3A_1128 = tpu.memref_squeeze %dma_wait3A_1127 : memref<1x8x6400xf32, #tpu.memory_space<vmem_shared>> -> memref<8x6400xf32, #tpu.memory_space<vmem_shared>>
      %dma_wait3A_1129 = arith.constant 0 : i32
      %dma_wait3A_1130 = tpu.memref_slice %arg2[%add3A_960, %dma_wait3A_1129, %multiple_of3A_989] : memref<4x8x160000xf32, #tpu.memory_space<hbm>> -> memref<1x8x6400xf32, #tpu.memory_space<hbm>>
      %dma_wait3A_1131 = tpu.memref_squeeze %dma_wait3A_1130 : memref<1x8x6400xf32, #tpu.memory_space<hbm>> -> memref<8x6400xf32, #tpu.memory_space<hbm>>
      tpu.wait_dma2 semaphore(%arg21 : memref<!tpu.dma_semaphore, #tpu.memory_space<semaphore_mem>>) src(%dma_wait3A_1131 : memref<8x6400xf32, #tpu.memory_space<hbm>>) dst(%dma_wait3A_1128 : memref<8x6400xf32, #tpu.memory_space<vmem_shared>>)
      %add3A_1132 = arith.constant 16 : i32
      %add3A_1133 = arith.addi %add3A_1132, %sub3A_6 : i32
      %mul3A_1134 = arith.constant 2 : i32
      %mul3A_1135 = arith.muli %mul3A_1134, %arg0 : i32
      %jit3A_1136 = arith.constant 2 : i32
      %eq3A_1137 = arith.constant 0 : i32
      %eq3A_1138 = arith.cmpi eq, %jit3A_1136, %eq3A_1137 : i32
      %jit3A_1139 = arith.constant 1 : i32
      %select_n3A_1140 = arith.select %eq3A_1138, %jit3A_1139, %jit3A_1136 : i32
      %rem3A_1141 = arith.remsi %add3A_1133, %select_n3A_1140 : i32
      %ne3A_1142 = arith.constant 0 : i32
      %ne3A_1143 = arith.cmpi ne, %rem3A_1141, %ne3A_1142 : i32
      %lt3A_1144 = arith.constant 0 : i32
      %lt3A_1145 = arith.cmpi slt, %rem3A_1141, %lt3A_1144 : i32
      %lt3A_1146 = arith.constant 0 : i32
      %lt3A_1147 = arith.cmpi slt, %select_n3A_1140, %lt3A_1146 : i32
      %ne3A_1148 = arith.xori %lt3A_1145, %lt3A_1147 : i1
      %and3A_1149 = arith.andi %ne3A_1148, %ne3A_1143 : i1
      %add3A_1150 = arith.addi %rem3A_1141, %select_n3A_1140 : i32
      %select_n3A_1151 = arith.select %and3A_1149, %add3A_1150, %rem3A_1141 : i32
      %add3A_1152 = arith.addi %mul3A_1135, %select_n3A_1151 : i32
      %jit3A_1153 = arith.constant 2 : i32
      %div3A_1154 = arith.divsi %add3A_1133, %jit3A_1153 : i32
      %sign3A_1155 = arith.constant 0 : i32
      %sign3A_1156 = arith.cmpi sgt, %add3A_1133, %sign3A_1155 : i32
      %sign3A_1157 = arith.extui %sign3A_1156 : i1 to i32
      %sign3A_1158 = arith.constant 0 : i32
      %sign3A_1159 = arith.cmpi slt, %add3A_1133, %sign3A_1158 : i32
      %sign3A_1160 = arith.extui %sign3A_1159 : i1 to i32
      %sign3A_1161 = arith.subi %sign3A_1157, %sign3A_1160 : i32
      %sign3A_1162 = arith.constant 0 : i32
      %sign3A_1163 = arith.cmpi sgt, %jit3A_1153, %sign3A_1162 : i32
      %sign3A_1164 = arith.extui %sign3A_1163 : i1 to i32
      %sign3A_1165 = arith.constant 0 : i32
      %sign3A_1166 = arith.cmpi slt, %jit3A_1153, %sign3A_1165 : i32
      %sign3A_1167 = arith.extui %sign3A_1166 : i1 to i32
      %sign3A_1168 = arith.subi %sign3A_1164, %sign3A_1167 : i32
      %ne3A_1169 = arith.cmpi ne, %sign3A_1161, %sign3A_1168 : i32
      %rem3A_1170 = arith.remsi %add3A_1133, %jit3A_1153 : i32
      %ne3A_1171 = arith.constant 0 : i32
      %ne3A_1172 = arith.cmpi ne, %rem3A_1170, %ne3A_1171 : i32
      %and3A_1173 = arith.andi %ne3A_1169, %ne3A_1172 : i1
      %sub3A_1174 = arith.constant 1 : i32
      %sub3A_1175 = arith.subi %div3A_1154, %sub3A_1174 : i32
      %select_n3A_1176 = arith.select %and3A_1173, %sub3A_1175, %div3A_1154 : i32
      %mul3A_1177 = arith.constant 6400 : i32
      %mul3A_1178 = arith.muli %select_n3A_1176, %mul3A_1177 : i32
      %add3A_1179 = arith.constant 89600 : i32
      %add3A_1180 = arith.addi %add3A_1179, %mul3A_1178 : i32
      %multiple_of3A_1181 = tpu.assume_multiple %add3A_1180, 128 : i32
      %dma_start3A_1182 = arith.constant 0 : i32
      %dma_start3A_1183 = tpu.memref_slice %arg3[%add3A_1152, %dma_start3A_1182, %multiple_of3A_1181] : memref<4x8x160000xf32, #tpu.memory_space<hbm>> -> memref<1x8x6400xf32, #tpu.memory_space<hbm>>
      %dma_start3A_1184 = tpu.memref_squeeze %dma_start3A_1183 : memref<1x8x6400xf32, #tpu.memory_space<hbm>> -> memref<8x6400xf32, #tpu.memory_space<hbm>>
      %dma_start3A_1185 = arith.constant 0 : i32
      %dma_start3A_1186 = arith.constant 0 : i32
      %dma_start3A_1187 = tpu.memref_slice %arg18[%sub3A_6, %dma_start3A_1185, %dma_start3A_1186] : memref<2x8x6400xf32, #tpu.memory_space<vmem_shared>> -> memref<1x8x6400xf32, #tpu.memory_space<vmem_shared>>
      %dma_start3A_1188 = tpu.memref_squeeze %dma_start3A_1187 : memref<1x8x6400xf32, #tpu.memory_space<vmem_shared>> -> memref<8x6400xf32, #tpu.memory_space<vmem_shared>>
      tpu.enqueue_dma source(%dma_start3A_1188 : memref<8x6400xf32, #tpu.memory_space<vmem_shared>>) target(%dma_start3A_1184 : memref<8x6400xf32, #tpu.memory_space<hbm>>) target_semaphore(%arg24 : memref<!tpu.dma_semaphore, #tpu.memory_space<semaphore_mem>>)
      %dma_wait3A_1189 = arith.constant 0 : i32
      %dma_wait3A_1190 = tpu.memref_slice %arg3[%add3A_1024, %dma_wait3A_1189, %multiple_of3A_1053] : memref<4x8x160000xf32, #tpu.memory_space<hbm>> -> memref<1x8x6400xf32, #tpu.memory_space<hbm>>
      %dma_wait3A_1191 = tpu.memref_squeeze %dma_wait3A_1190 : memref<1x8x6400xf32, #tpu.memory_space<hbm>> -> memref<8x6400xf32, #tpu.memory_space<hbm>>
      %dma_wait3A_1192 = arith.constant 0 : i32
      %dma_wait3A_1193 = arith.constant 0 : i32
      %dma_wait3A_1194 = tpu.memref_slice %arg17[%sub3A_6, %dma_wait3A_1192, %dma_wait3A_1193] : memref<2x8x6400xf32, #tpu.memory_space<vmem_shared>> -> memref<1x8x6400xf32, #tpu.memory_space<vmem_shared>>
      %dma_wait3A_1195 = tpu.memref_squeeze %dma_wait3A_1194 : memref<1x8x6400xf32, #tpu.memory_space<vmem_shared>> -> memref<8x6400xf32, #tpu.memory_space<vmem_shared>>
      tpu.wait_dma2 semaphore(%arg23 : memref<!tpu.dma_semaphore, #tpu.memory_space<semaphore_mem>>) src(%dma_wait3A_1195 : memref<8x6400xf32, #tpu.memory_space<vmem_shared>>) dst(%dma_wait3A_1191 : memref<8x6400xf32, #tpu.memory_space<hbm>>)
      %add3A_1196 = arith.constant 20 : i32
      %add3A_1197 = arith.addi %add3A_1196, %sub3A_6 : i32
      %mul3A_1198 = arith.constant 2 : i32
      %mul3A_1199 = arith.muli %mul3A_1198, %arg0 : i32
      %jit3A_1200 = arith.constant 2 : i32
      %eq3A_1201 = arith.constant 0 : i32
      %eq3A_1202 = arith.cmpi eq, %jit3A_1200, %eq3A_1201 : i32
      %jit3A_1203 = arith.constant 1 : i32
      %select_n3A_1204 = arith.select %eq3A_1202, %jit3A_1203, %jit3A_1200 : i32
      %rem3A_1205 = arith.remsi %add3A_1197, %select_n3A_1204 : i32
      %ne3A_1206 = arith.constant 0 : i32
      %ne3A_1207 = arith.cmpi ne, %rem3A_1205, %ne3A_1206 : i32
      %lt3A_1208 = arith.constant 0 : i32
      %lt3A_1209 = arith.cmpi slt, %rem3A_1205, %lt3A_1208 : i32
      %lt3A_1210 = arith.constant 0 : i32
      %lt3A_1211 = arith.cmpi slt, %select_n3A_1204, %lt3A_1210 : i32
      %ne3A_1212 = arith.xori %lt3A_1209, %lt3A_1211 : i1
      %and3A_1213 = arith.andi %ne3A_1212, %ne3A_1207 : i1
      %add3A_1214 = arith.addi %rem3A_1205, %select_n3A_1204 : i32
      %select_n3A_1215 = arith.select %and3A_1213, %add3A_1214, %rem3A_1205 : i32
      %add3A_1216 = arith.addi %mul3A_1199, %select_n3A_1215 : i32
      %jit3A_1217 = arith.constant 2 : i32
      %div3A_1218 = arith.divsi %add3A_1197, %jit3A_1217 : i32
      %sign3A_1219 = arith.constant 0 : i32
      %sign3A_1220 = arith.cmpi sgt, %add3A_1197, %sign3A_1219 : i32
      %sign3A_1221 = arith.extui %sign3A_1220 : i1 to i32
      %sign3A_1222 = arith.constant 0 : i32
      %sign3A_1223 = arith.cmpi slt, %add3A_1197, %sign3A_1222 : i32
      %sign3A_1224 = arith.extui %sign3A_1223 : i1 to i32
      %sign3A_1225 = arith.subi %sign3A_1221, %sign3A_1224 : i32
      %sign3A_1226 = arith.constant 0 : i32
      %sign3A_1227 = arith.cmpi sgt, %jit3A_1217, %sign3A_1226 : i32
      %sign3A_1228 = arith.extui %sign3A_1227 : i1 to i32
      %sign3A_1229 = arith.constant 0 : i32
      %sign3A_1230 = arith.cmpi slt, %jit3A_1217, %sign3A_1229 : i32
      %sign3A_1231 = arith.extui %sign3A_1230 : i1 to i32
      %sign3A_1232 = arith.subi %sign3A_1228, %sign3A_1231 : i32
      %ne3A_1233 = arith.cmpi ne, %sign3A_1225, %sign3A_1232 : i32
      %rem3A_1234 = arith.remsi %add3A_1197, %jit3A_1217 : i32
      %ne3A_1235 = arith.constant 0 : i32
      %ne3A_1236 = arith.cmpi ne, %rem3A_1234, %ne3A_1235 : i32
      %and3A_1237 = arith.andi %ne3A_1233, %ne3A_1236 : i1
      %sub3A_1238 = arith.constant 1 : i32
      %sub3A_1239 = arith.subi %div3A_1218, %sub3A_1238 : i32
      %select_n3A_1240 = arith.select %and3A_1237, %sub3A_1239, %div3A_1218 : i32
      %mul3A_1241 = arith.constant 6400 : i32
      %mul3A_1242 = arith.muli %select_n3A_1240, %mul3A_1241 : i32
      %add3A_1243 = arith.constant 89600 : i32
      %add3A_1244 = arith.addi %add3A_1243, %mul3A_1242 : i32
      %multiple_of3A_1245 = tpu.assume_multiple %add3A_1244, 128 : i32
      %dma_start3A_1246 = arith.constant 0 : i32
      %dma_start3A_1247 = arith.constant 0 : i32
      %dma_start3A_1248 = tpu.memref_slice %arg17[%sub3A_6, %dma_start3A_1246, %dma_start3A_1247] : memref<2x8x6400xf32, #tpu.memory_space<vmem_shared>> -> memref<1x8x6400xf32, #tpu.memory_space<vmem_shared>>
      %dma_start3A_1249 = tpu.memref_squeeze %dma_start3A_1248 : memref<1x8x6400xf32, #tpu.memory_space<vmem_shared>> -> memref<8x6400xf32, #tpu.memory_space<vmem_shared>>
      %dma_start3A_1250 = arith.constant 0 : i32
      %dma_start3A_1251 = tpu.memref_slice %arg2[%add3A_1216, %dma_start3A_1250, %multiple_of3A_1245] : memref<4x8x160000xf32, #tpu.memory_space<hbm>> -> memref<1x8x6400xf32, #tpu.memory_space<hbm>>
      %dma_start3A_1252 = tpu.memref_squeeze %dma_start3A_1251 : memref<1x8x6400xf32, #tpu.memory_space<hbm>> -> memref<8x6400xf32, #tpu.memory_space<hbm>>
      tpu.enqueue_dma source(%dma_start3A_1252 : memref<8x6400xf32, #tpu.memory_space<hbm>>) target(%dma_start3A_1249 : memref<8x6400xf32, #tpu.memory_space<vmem_shared>>) target_semaphore(%arg20 : memref<!tpu.dma_semaphore, #tpu.memory_space<semaphore_mem>>)
      %dma_wait3A_1253 = arith.constant 0 : i32
      %dma_wait3A_1254 = arith.constant 0 : i32
      %dma_wait3A_1255 = tpu.memref_slice %arg16[%sub3A_6, %dma_wait3A_1253, %dma_wait3A_1254] : memref<2x8x6400xf32, #tpu.memory_space<vmem_shared>> -> memref<1x8x6400xf32, #tpu.memory_space<vmem_shared>>
      %dma_wait3A_1256 = tpu.memref_squeeze %dma_wait3A_1255 : memref<1x8x6400xf32, #tpu.memory_space<vmem_shared>> -> memref<8x6400xf32, #tpu.memory_space<vmem_shared>>
      %dma_wait3A_1257 = arith.constant 0 : i32
      %dma_wait3A_1258 = tpu.memref_slice %arg2[%add3A_1088, %dma_wait3A_1257, %multiple_of3A_1117] : memref<4x8x160000xf32, #tpu.memory_space<hbm>> -> memref<1x8x6400xf32, #tpu.memory_space<hbm>>
      %dma_wait3A_1259 = tpu.memref_squeeze %dma_wait3A_1258 : memref<1x8x6400xf32, #tpu.memory_space<hbm>> -> memref<8x6400xf32, #tpu.memory_space<hbm>>
      tpu.wait_dma2 semaphore(%arg19 : memref<!tpu.dma_semaphore, #tpu.memory_space<semaphore_mem>>) src(%dma_wait3A_1259 : memref<8x6400xf32, #tpu.memory_space<hbm>>) dst(%dma_wait3A_1256 : memref<8x6400xf32, #tpu.memory_space<vmem_shared>>)
      %add3A_1260 = arith.constant 18 : i32
      %add3A_1261 = arith.addi %add3A_1260, %sub3A_6 : i32
      %mul3A_1262 = arith.constant 2 : i32
      %mul3A_1263 = arith.muli %mul3A_1262, %arg0 : i32
      %jit3A_1264 = arith.constant 2 : i32
      %eq3A_1265 = arith.constant 0 : i32
      %eq3A_1266 = arith.cmpi eq, %jit3A_1264, %eq3A_1265 : i32
      %jit3A_1267 = arith.constant 1 : i32
      %select_n3A_1268 = arith.select %eq3A_1266, %jit3A_1267, %jit3A_1264 : i32
      %rem3A_1269 = arith.remsi %add3A_1261, %select_n3A_1268 : i32
      %ne3A_1270 = arith.constant 0 : i32
      %ne3A_1271 = arith.cmpi ne, %rem3A_1269, %ne3A_1270 : i32
      %lt3A_1272 = arith.constant 0 : i32
      %lt3A_1273 = arith.cmpi slt, %rem3A_1269, %lt3A_1272 : i32
      %lt3A_1274 = arith.constant 0 : i32
      %lt3A_1275 = arith.cmpi slt, %select_n3A_1268, %lt3A_1274 : i32
      %ne3A_1276 = arith.xori %lt3A_1273, %lt3A_1275 : i1
      %and3A_1277 = arith.andi %ne3A_1276, %ne3A_1271 : i1
      %add3A_1278 = arith.addi %rem3A_1269, %select_n3A_1268 : i32
      %select_n3A_1279 = arith.select %and3A_1277, %add3A_1278, %rem3A_1269 : i32
      %add3A_1280 = arith.addi %mul3A_1263, %select_n3A_1279 : i32
      %jit3A_1281 = arith.constant 2 : i32
      %div3A_1282 = arith.divsi %add3A_1261, %jit3A_1281 : i32
      %sign3A_1283 = arith.constant 0 : i32
      %sign3A_1284 = arith.cmpi sgt, %add3A_1261, %sign3A_1283 : i32
      %sign3A_1285 = arith.extui %sign3A_1284 : i1 to i32
      %sign3A_1286 = arith.constant 0 : i32
      %sign3A_1287 = arith.cmpi slt, %add3A_1261, %sign3A_1286 : i32
      %sign3A_1288 = arith.extui %sign3A_1287 : i1 to i32
      %sign3A_1289 = arith.subi %sign3A_1285, %sign3A_1288 : i32
      %sign3A_1290 = arith.constant 0 : i32
      %sign3A_1291 = arith.cmpi sgt, %jit3A_1281, %sign3A_1290 : i32
      %sign3A_1292 = arith.extui %sign3A_1291 : i1 to i32
      %sign3A_1293 = arith.constant 0 : i32
      %sign3A_1294 = arith.cmpi slt, %jit3A_1281, %sign3A_1293 : i32
      %sign3A_1295 = arith.extui %sign3A_1294 : i1 to i32
      %sign3A_1296 = arith.subi %sign3A_1292, %sign3A_1295 : i32
      %ne3A_1297 = arith.cmpi ne, %sign3A_1289, %sign3A_1296 : i32
      %rem3A_1298 = arith.remsi %add3A_1261, %jit3A_1281 : i32
      %ne3A_1299 = arith.constant 0 : i32
      %ne3A_1300 = arith.cmpi ne, %rem3A_1298, %ne3A_1299 : i32
      %and3A_1301 = arith.andi %ne3A_1297, %ne3A_1300 : i1
      %sub3A_1302 = arith.constant 1 : i32
      %sub3A_1303 = arith.subi %div3A_1282, %sub3A_1302 : i32
      %select_n3A_1304 = arith.select %and3A_1301, %sub3A_1303, %div3A_1282 : i32
      %mul3A_1305 = arith.constant 6400 : i32
      %mul3A_1306 = arith.muli %select_n3A_1304, %mul3A_1305 : i32
      %add3A_1307 = arith.constant 89600 : i32
      %add3A_1308 = arith.addi %add3A_1307, %mul3A_1306 : i32
      %multiple_of3A_1309 = tpu.assume_multiple %add3A_1308, 128 : i32
      %dma_start3A_1310 = arith.constant 0 : i32
      %dma_start3A_1311 = tpu.memref_slice %arg3[%add3A_1280, %dma_start3A_1310, %multiple_of3A_1309] : memref<4x8x160000xf32, #tpu.memory_space<hbm>> -> memref<1x8x6400xf32, #tpu.memory_space<hbm>>
      %dma_start3A_1312 = tpu.memref_squeeze %dma_start3A_1311 : memref<1x8x6400xf32, #tpu.memory_space<hbm>> -> memref<8x6400xf32, #tpu.memory_space<hbm>>
      %dma_start3A_1313 = arith.constant 0 : i32
      %dma_start3A_1314 = arith.constant 0 : i32
      %dma_start3A_1315 = tpu.memref_slice %arg16[%sub3A_6, %dma_start3A_1313, %dma_start3A_1314] : memref<2x8x6400xf32, #tpu.memory_space<vmem_shared>> -> memref<1x8x6400xf32, #tpu.memory_space<vmem_shared>>
      %dma_start3A_1316 = tpu.memref_squeeze %dma_start3A_1315 : memref<1x8x6400xf32, #tpu.memory_space<vmem_shared>> -> memref<8x6400xf32, #tpu.memory_space<vmem_shared>>
      tpu.enqueue_dma source(%dma_start3A_1316 : memref<8x6400xf32, #tpu.memory_space<vmem_shared>>) target(%dma_start3A_1312 : memref<8x6400xf32, #tpu.memory_space<hbm>>) target_semaphore(%arg22 : memref<!tpu.dma_semaphore, #tpu.memory_space<semaphore_mem>>)
      %dma_wait3A_1317 = arith.constant 0 : i32
      %dma_wait3A_1318 = arith.constant 0 : i32
      %dma_wait3A_1319 = tpu.memref_slice %arg17[%sub3A_6, %dma_wait3A_1317, %dma_wait3A_1318] : memref<2x8x6400xf32, #tpu.memory_space<vmem_shared>> -> memref<1x8x6400xf32, #tpu.memory_space<vmem_shared>>
      %dma_wait3A_1320 = tpu.memref_squeeze %dma_wait3A_1319 : memref<1x8x6400xf32, #tpu.memory_space<vmem_shared>> -> memref<8x6400xf32, #tpu.memory_space<vmem_shared>>
      %dma_wait3A_1321 = arith.constant 0 : i32
      %dma_wait3A_1322 = tpu.memref_slice %arg2[%add3A_1216, %dma_wait3A_1321, %multiple_of3A_1245] : memref<4x8x160000xf32, #tpu.memory_space<hbm>> -> memref<1x8x6400xf32, #tpu.memory_space<hbm>>
      %dma_wait3A_1323 = tpu.memref_squeeze %dma_wait3A_1322 : memref<1x8x6400xf32, #tpu.memory_space<hbm>> -> memref<8x6400xf32, #tpu.memory_space<hbm>>
      tpu.wait_dma2 semaphore(%arg20 : memref<!tpu.dma_semaphore, #tpu.memory_space<semaphore_mem>>) src(%dma_wait3A_1323 : memref<8x6400xf32, #tpu.memory_space<hbm>>) dst(%dma_wait3A_1320 : memref<8x6400xf32, #tpu.memory_space<vmem_shared>>)
      %add3A_1324 = arith.constant 20 : i32
      %add3A_1325 = arith.addi %add3A_1324, %sub3A_6 : i32
      %mul3A_1326 = arith.constant 2 : i32
      %mul3A_1327 = arith.muli %mul3A_1326, %arg0 : i32
      %jit3A_1328 = arith.constant 2 : i32
      %eq3A_1329 = arith.constant 0 : i32
      %eq3A_1330 = arith.cmpi eq, %jit3A_1328, %eq3A_1329 : i32
      %jit3A_1331 = arith.constant 1 : i32
      %select_n3A_1332 = arith.select %eq3A_1330, %jit3A_1331, %jit3A_1328 : i32
      %rem3A_1333 = arith.remsi %add3A_1325, %select_n3A_1332 : i32
      %ne3A_1334 = arith.constant 0 : i32
      %ne3A_1335 = arith.cmpi ne, %rem3A_1333, %ne3A_1334 : i32
      %lt3A_1336 = arith.constant 0 : i32
      %lt3A_1337 = arith.cmpi slt, %rem3A_1333, %lt3A_1336 : i32
      %lt3A_1338 = arith.constant 0 : i32
      %lt3A_1339 = arith.cmpi slt, %select_n3A_1332, %lt3A_1338 : i32
      %ne3A_1340 = arith.xori %lt3A_1337, %lt3A_1339 : i1
      %and3A_1341 = arith.andi %ne3A_1340, %ne3A_1335 : i1
      %add3A_1342 = arith.addi %rem3A_1333, %select_n3A_1332 : i32
      %select_n3A_1343 = arith.select %and3A_1341, %add3A_1342, %rem3A_1333 : i32
      %add3A_1344 = arith.addi %mul3A_1327, %select_n3A_1343 : i32
      %jit3A_1345 = arith.constant 2 : i32
      %div3A_1346 = arith.divsi %add3A_1325, %jit3A_1345 : i32
      %sign3A_1347 = arith.constant 0 : i32
      %sign3A_1348 = arith.cmpi sgt, %add3A_1325, %sign3A_1347 : i32
      %sign3A_1349 = arith.extui %sign3A_1348 : i1 to i32
      %sign3A_1350 = arith.constant 0 : i32
      %sign3A_1351 = arith.cmpi slt, %add3A_1325, %sign3A_1350 : i32
      %sign3A_1352 = arith.extui %sign3A_1351 : i1 to i32
      %sign3A_1353 = arith.subi %sign3A_1349, %sign3A_1352 : i32
      %sign3A_1354 = arith.constant 0 : i32
      %sign3A_1355 = arith.cmpi sgt, %jit3A_1345, %sign3A_1354 : i32
      %sign3A_1356 = arith.extui %sign3A_1355 : i1 to i32
      %sign3A_1357 = arith.constant 0 : i32
      %sign3A_1358 = arith.cmpi slt, %jit3A_1345, %sign3A_1357 : i32
      %sign3A_1359 = arith.extui %sign3A_1358 : i1 to i32
      %sign3A_1360 = arith.subi %sign3A_1356, %sign3A_1359 : i32
      %ne3A_1361 = arith.cmpi ne, %sign3A_1353, %sign3A_1360 : i32
      %rem3A_1362 = arith.remsi %add3A_1325, %jit3A_1345 : i32
      %ne3A_1363 = arith.constant 0 : i32
      %ne3A_1364 = arith.cmpi ne, %rem3A_1362, %ne3A_1363 : i32
      %and3A_1365 = arith.andi %ne3A_1361, %ne3A_1364 : i1
      %sub3A_1366 = arith.constant 1 : i32
      %sub3A_1367 = arith.subi %div3A_1346, %sub3A_1366 : i32
      %select_n3A_1368 = arith.select %and3A_1365, %sub3A_1367, %div3A_1346 : i32
      %mul3A_1369 = arith.constant 6400 : i32
      %mul3A_1370 = arith.muli %select_n3A_1368, %mul3A_1369 : i32
      %add3A_1371 = arith.constant 89600 : i32
      %add3A_1372 = arith.addi %add3A_1371, %mul3A_1370 : i32
      %multiple_of3A_1373 = tpu.assume_multiple %add3A_1372, 128 : i32
      %dma_start3A_1374 = arith.constant 0 : i32
      %dma_start3A_1375 = tpu.memref_slice %arg3[%add3A_1344, %dma_start3A_1374, %multiple_of3A_1373] : memref<4x8x160000xf32, #tpu.memory_space<hbm>> -> memref<1x8x6400xf32, #tpu.memory_space<hbm>>
      %dma_start3A_1376 = tpu.memref_squeeze %dma_start3A_1375 : memref<1x8x6400xf32, #tpu.memory_space<hbm>> -> memref<8x6400xf32, #tpu.memory_space<hbm>>
      %dma_start3A_1377 = arith.constant 0 : i32
      %dma_start3A_1378 = arith.constant 0 : i32
      %dma_start3A_1379 = tpu.memref_slice %arg17[%sub3A_6, %dma_start3A_1377, %dma_start3A_1378] : memref<2x8x6400xf32, #tpu.memory_space<vmem_shared>> -> memref<1x8x6400xf32, #tpu.memory_space<vmem_shared>>
      %dma_start3A_1380 = tpu.memref_squeeze %dma_start3A_1379 : memref<1x8x6400xf32, #tpu.memory_space<vmem_shared>> -> memref<8x6400xf32, #tpu.memory_space<vmem_shared>>
      tpu.enqueue_dma source(%dma_start3A_1380 : memref<8x6400xf32, #tpu.memory_space<vmem_shared>>) target(%dma_start3A_1376 : memref<8x6400xf32, #tpu.memory_space<hbm>>) target_semaphore(%arg23 : memref<!tpu.dma_semaphore, #tpu.memory_space<semaphore_mem>>)
      %dma_wait3A_1381 = arith.constant 0 : i32
      %dma_wait3A_1382 = tpu.memref_slice %arg3[%add3A_1152, %dma_wait3A_1381, %multiple_of3A_1181] : memref<4x8x160000xf32, #tpu.memory_space<hbm>> -> memref<1x8x6400xf32, #tpu.memory_space<hbm>>
      %dma_wait3A_1383 = tpu.memref_squeeze %dma_wait3A_1382 : memref<1x8x6400xf32, #tpu.memory_space<hbm>> -> memref<8x6400xf32, #tpu.memory_space<hbm>>
      %dma_wait3A_1384 = arith.constant 0 : i32
      %dma_wait3A_1385 = arith.constant 0 : i32
      %dma_wait3A_1386 = tpu.memref_slice %arg18[%sub3A_6, %dma_wait3A_1384, %dma_wait3A_1385] : memref<2x8x6400xf32, #tpu.memory_space<vmem_shared>> -> memref<1x8x6400xf32, #tpu.memory_space<vmem_shared>>
      %dma_wait3A_1387 = tpu.memref_squeeze %dma_wait3A_1386 : memref<1x8x6400xf32, #tpu.memory_space<vmem_shared>> -> memref<8x6400xf32, #tpu.memory_space<vmem_shared>>
      tpu.wait_dma2 semaphore(%arg24 : memref<!tpu.dma_semaphore, #tpu.memory_space<semaphore_mem>>) src(%dma_wait3A_1387 : memref<8x6400xf32, #tpu.memory_space<vmem_shared>>) dst(%dma_wait3A_1383 : memref<8x6400xf32, #tpu.memory_space<hbm>>)
      %dma_wait3A_1388 = arith.constant 0 : i32
      %dma_wait3A_1389 = tpu.memref_slice %arg3[%add3A_1280, %dma_wait3A_1388, %multiple_of3A_1309] : memref<4x8x160000xf32, #tpu.memory_space<hbm>> -> memref<1x8x6400xf32, #tpu.memory_space<hbm>>
      %dma_wait3A_1390 = tpu.memref_squeeze %dma_wait3A_1389 : memref<1x8x6400xf32, #tpu.memory_space<hbm>> -> memref<8x6400xf32, #tpu.memory_space<hbm>>
      %dma_wait3A_1391 = arith.constant 0 : i32
      %dma_wait3A_1392 = arith.constant 0 : i32
      %dma_wait3A_1393 = tpu.memref_slice %arg16[%sub3A_6, %dma_wait3A_1391, %dma_wait3A_1392] : memref<2x8x6400xf32, #tpu.memory_space<vmem_shared>> -> memref<1x8x6400xf32, #tpu.memory_space<vmem_shared>>
      %dma_wait3A_1394 = tpu.memref_squeeze %dma_wait3A_1393 : memref<1x8x6400xf32, #tpu.memory_space<vmem_shared>> -> memref<8x6400xf32, #tpu.memory_space<vmem_shared>>
      tpu.wait_dma2 semaphore(%arg22 : memref<!tpu.dma_semaphore, #tpu.memory_space<semaphore_mem>>) src(%dma_wait3A_1394 : memref<8x6400xf32, #tpu.memory_space<vmem_shared>>) dst(%dma_wait3A_1390 : memref<8x6400xf32, #tpu.memory_space<hbm>>)
      %dma_wait3A_1395 = arith.constant 0 : i32
      %dma_wait3A_1396 = tpu.memref_slice %arg3[%add3A_1344, %dma_wait3A_1395, %multiple_of3A_1373] : memref<4x8x160000xf32, #tpu.memory_space<hbm>> -> memref<1x8x6400xf32, #tpu.memory_space<hbm>>
      %dma_wait3A_1397 = tpu.memref_squeeze %dma_wait3A_1396 : memref<1x8x6400xf32, #tpu.memory_space<hbm>> -> memref<8x6400xf32, #tpu.memory_space<hbm>>
      %dma_wait3A_1398 = arith.constant 0 : i32
      %dma_wait3A_1399 = arith.constant 0 : i32
      %dma_wait3A_1400 = tpu.memref_slice %arg17[%sub3A_6, %dma_wait3A_1398, %dma_wait3A_1399] : memref<2x8x6400xf32, #tpu.memory_space<vmem_shared>> -> memref<1x8x6400xf32, #tpu.memory_space<vmem_shared>>
      %dma_wait3A_1401 = tpu.memref_squeeze %dma_wait3A_1400 : memref<1x8x6400xf32, #tpu.memory_space<vmem_shared>> -> memref<8x6400xf32, #tpu.memory_space<vmem_shared>>
      tpu.wait_dma2 semaphore(%arg23 : memref<!tpu.dma_semaphore, #tpu.memory_space<semaphore_mem>>) src(%dma_wait3A_1401 : memref<8x6400xf32, #tpu.memory_space<vmem_shared>>) dst(%dma_wait3A_1397 : memref<8x6400xf32, #tpu.memory_space<hbm>>)
    } else {
    }
    return
  }
}

</mosaic_0001>

<sc_bundles>
// kernel: kernel.3.cloned.1.call-start
scs
__scs_entry_jumppad:
0x0: {  	(pc) =	sbr.rel $0x88, $3  }
0x1: {  	(tag) =	ssettag $0x0;
	lr =	simm.s32 $0x1  }
0x2: {  	[smem:$0x3FA0] =	sst lr;
	_ =	strace $0xD0000000  }
0x3: {  	_ = 	snop  }
0x4: {  	_ = 	snop  }
0x5: {  	_ = 	snop  }
0x6: {  	_ = 	snop  }
0x7: {  	_ = 	snop  }
__scs_overlays_trampoline_lowered:
0x8: {  	[smem:$0x3FAF] =	sst s0  }
0x9: {  	[smem:$0x3FB0] =	sst s1  }
0xa: {  	[smem:$0x3FB1] =	sst s2  }
0xb: {  	[smem:$0x3FB2] =	sst s3  }
0xc: {  	[smem:$0x3FB3] =	sst s4  }
0xd: {  	[smem:$0x3FB4] =	sst s5  }
0xe: {  	[smem:$0x3FB5] =	sst s6  }
0xf: {  	[smem:$0x3FB6] =	sst s7  }
0x10: {  	[smem:$0x3FB7] =	sst s8  }
0x11: {  	[smem:$0x3FB8] =	sst s9;
	s0 =	simm.s32 @!p0 $0x0  }
0x12: {  	s1 =	sld [smem:$0x3F9E];
	s0 =	simm.s32 @p0 $0x1  }
0x13: {  	[smem:$0x3FB9] =	sst s0;
	s0 =	simm.s32 @!p1 $0x0  }
0x14: {  	s2 =	sld [smem:$0x3F9D];
	s0 =	simm.s32 @p1 $0x1  }
0x15: {  	[smem:$0x3FBA] =	sst s0;
	s0 =	simm.s32 @!p2 $0x0  }
0x16: {  	s3 =	sld [smem:$0x3FDB];
	s0 =	simm.s32 @p2 $0x1  }
0x17: {  	s4 =	simm.s32 $0x1BF5;
	[smem:$0x3FBC] =	sst s0  }
0x18: {  	s0 =	sld [smem:$0x3F9F];
	_ =	swait.ge [sflag:s4], $0x0  }
0x19: {  	s7 =	sld [smem:$0x3FA0]  }
0x1a: {  	s8 =	sadd.s32 $0xFFFFE003, lr  }
0x1b: {  	s9 =	sadd.s32 $0xFFFFFEF7, lr;
	s5 =	simm.s32 $0xFFFFFFFF;
	p2 =	slt.u32 s8, $0xFFFFF086  }
0x1c: {  	p1 =	slt.u32 s9, $0xF7A;
	s5 =	simm.s32 @!p2 $0x0  }
0x1d: {  	s5 =	simm.s32 @p1 $0x1;
	p0 =	seq.s32 s7, s2  }
0x1e: {  	s7 =	smul.u32 @!p0 $0xF7A, s2;
	p2 =	seq.s32 @!p0 s5, $0x0  }
0x1f: {  	s9 =	smul.u32 $0xF7A, s1;
	s8 =	simm.s32 @!p0 $0x1BF5;
	p2 =	por !p2, p0  }
0x20: {  	[sflag:s8] =	ssyncset.s32 @!p0 $0xFFFFF086;
	s6 =	sadd.s32 @!p0 s3, s7;
	s7 =	simm.s32 @!p0 $0x108  }
0x21: {  	s3 =	sadd.s32 s3, s9;
	s6 =	sadd.s32 @!p0 $0x88, s6;
	s7 =	simm.s32 @p2 $0x1082  }
0x22: {  	[simem:s7], [sflag:s8] =	dma.local @!p0 [hbm:s6], $0xF7A  }
0x23: {  	s9 =	sor.u32 $0xD0000000, s2;
	s6 =	simm.s32 $0x108;
	_ =	swait.ge @!p0 [sflag:s8], $0x0  }
0x24: {  	s3 =	sadd.s32 $0x88, s3;
	s6 =	simm.s32 @!p1 $0x1082;
	[sflag:s4] =	ssyncset.s32 $0xFFFFF086  }
0x25: {  	[simem:s6], [sflag:s4] =	dma.local [hbm:s3], $0xF7A  }
0x26: {  	[smem:$0x3FA0] =	sst s1;
	(tag) =	ssettag s2;
	_ =	strace s9  }
0x27: {  	s1 =	sld [smem:$0x3FB0]  }
0x28: {  	s2 =	sld [smem:$0x3FB1]  }
0x29: {  	s4 =	sld [smem:$0x3FB3]  }
0x2a: {  	p0 =	seq.s32 s5, $0x0;
	s5 =	sld [smem:$0x3FB4]  }
0x2b: {  	s6 =	sld [smem:$0x3FB5]  }
0x2c: {  	s7 =	sld [smem:$0x3FB6]  }
0x2d: {  	s3 =	simm.s32 $0x108;
	s8 =	sld [smem:$0x3FB7]  }
0x2e: {  	s3 =	simm.s32 @!p0 $0x1082;
	s9 =	sld [smem:$0x3FB8]  }
0x2f: {  	lr =	sadd.s32 s0, s3;
	s0 =	sld [smem:$0x3FAF]  }
0x30: {  	s3 =	sld [smem:$0x3FB2]  }
0x31: {  	[smem:$0x3FBB] =	sst s10  }
0x32: {  	s10 =	sld [smem:$0x3FB9];
	_ =	sdelay $0x3  }
0x33: {  	p0 =	seq.s32 s10, $0x1;
	s10 =	sld [smem:$0x3FBB];
	_ =	sdelay $0x3  }
0x34: {  	[smem:$0x3FBB] =	sst s10  }
0x35: {  	s10 =	sld [smem:$0x3FBA];
	_ =	sdelay $0x3  }
0x36: {  	p1 =	seq.s32 s10, $0x1;
	s10 =	sld [smem:$0x3FBB];
	_ =	sdelay $0x3  }
0x37: {  	[smem:$0x3FBB] =	sst s10  }
0x38: {  	s10 =	sld [smem:$0x3FBC]  }
0x39: {  	_ = 	snop;
	(pc) =	sbr.ind lr, $3  }
0x3a: {  	_ = 	snop  }
0x3b: {  	_ = 	snop  }
0x3c: {  	p2 =	seq.s32 s10, $0x1;
	s10 =	sld [smem:$0x3FBB]  }
0x3d: {  	_ =	shalt  }
0x3e: {  	_ =	shalt  }
0x3f: {  	_ =	shalt  }
0x40: {  	_ =	shalt  }
0x41: {  	_ =	shalt  }
0x42: {  	_ =	shalt  }
0x43: {  	_ =	shalt  }
0x44: {  	_ =	shalt  }
0x45: {  	_ =	shalt  }
0x46: {  	_ =	shalt  }
0x47: {  	_ =	shalt  }
0x48: {  	_ =	shalt  }
0x49: {  	_ =	shalt  }
0x4a: {  	_ =	shalt  }
0x4b: {  	_ =	shalt  }
0x4c: {  	_ =	shalt  }
0x4d: {  	_ =	shalt  }
0x4e: {  	_ =	shalt  }
0x4f: {  	_ =	shalt  }
0x50: {  	_ =	shalt  }
0x51: {  	_ =	shalt  }
0x52: {  	_ =	shalt  }
0x53: {  	_ =	shalt  }
0x54: {  	_ =	shalt  }
0x55: {  	_ =	shalt  }
0x56: {  	_ =	shalt  }
0x57: {  	_ =	shalt  }
0x58: {  	_ =	shalt  }
0x59: {  	_ =	shalt  }
0x5a: {  	_ =	shalt  }
0x5b: {  	_ =	shalt  }
0x5c: {  	_ =	shalt  }
0x5d: {  	_ =	shalt  }
0x5e: {  	_ =	shalt  }
0x5f: {  	_ =	shalt  }
0x60: {  	_ =	shalt  }
0x61: {  	_ =	shalt  }
0x62: {  	_ =	shalt  }
0x63: {  	_ =	shalt  }
0x64: {  	_ =	shalt  }
0x65: {  	_ =	shalt  }
0x66: {  	_ =	shalt  }
0x67: {  	_ =	shalt  }
0x68: {  	_ =	shalt  }
0x69: {  	_ =	shalt  }
0x6a: {  	_ =	shalt  }
0x6b: {  	_ =	shalt  }
0x6c: {  	_ =	shalt  }
0x6d: {  	_ =	shalt  }
0x6e: {  	_ =	shalt  }
0x6f: {  	_ =	shalt  }
0x70: {  	_ =	shalt  }
0x71: {  	_ =	shalt  }
0x72: {  	_ =	shalt  }
0x73: {  	_ =	shalt  }
0x74: {  	_ =	shalt  }
0x75: {  	_ =	shalt  }
0x76: {  	_ =	shalt  }
0x77: {  	_ =	shalt  }
0x78: {  	_ =	shalt  }
0x79: {  	_ =	shalt  }
0x7a: {  	_ =	shalt  }
0x7b: {  	_ =	shalt  }
0x7c: {  	_ =	shalt  }
0x7d: {  	_ =	shalt  }
0x7e: {  	_ =	shalt  }
0x7f: {  	_ =	shalt  }
0x80: {  	_ =	shalt  }
0x81: {  	_ =	shalt  }
0x82: {  	_ =	shalt  }
0x83: {  	_ =	shalt  }
0x84: {  	_ =	shalt  }
0x85: {  	_ =	shalt  }
0x86: {  	_ =	shalt  }
0x87: {  	_ =	shalt  }
.Lfunc_end0:
.L_simem_size_0:
called_computation_lowered:
.L_overlay_start_0:
0x88: {  	s2 =	sld [smem:$0x3FD9]  }
0x89: {  	s3 =	sld [smem:$0x3FFE];
	_ =	sdelay $0x1  }
0x8a: {  	s1 =	srdreg.scid  }
0x8b: {  	s0 =	sand.u32 $0x1, s1  }
0x8c: {  	s18 =	sshll.u32 s0, $0xA;
	s2 =	sadd.s32 s3, s2  }
0x8d: {  	s2 =	sadd.s32 s2, s18  }
0x8e: {  	[smem:$0x3FC7] =	sst s2  }
0x8f: {  	_ = 	snop  }
0x90: {  	s2 =	sld [smem:$0x3FC9]  }
0x91: {  	s19 =	sld [smem:$0x3FD0];
	(tm) =	ssettm $0x1  }
0x92: {  	s4 =	sld [smem:$0x3FFB];
	_ =	sdelay $0x3  }
0x93: {  	_ =	strace s4  }
0x94: {  	s4 =	sld [smem:$0x3FFC];
	_ =	sdelay $0x3  }
0x95: {  	_ =	strace s4  }
0x96: {  	s4 =	sld [smem:$0x3FFD];
	_ =	sdelay $0x3  }
0x97: {  	_ =	strace s4  }
0x98: {  	_ =	strace $0x8FFFFFFF  }
0x99: {  	s20 =	sld [smem:$0x3FDB];
	_ =	sdelay $0x1  }
0x9a: {  	s5 =	simm.s32 $_scs_section_size  }
0x9b: {  	s6 =	simm.s32 $_size__tile_overlayer_lowered;
	s7 =	simm.s32 $_tile_overlayer_lowered  }
0x9c: {  	s23 =	simm.s32 $0x1BFF;
	s22 =	sshll.u32 s7, $0x1;
	s4 =	sadd.s32 s5, s20  }
0x9d: {  	s8 =	simm.s32 $0x0;
	s21 =	sshll.u32 s6, $0x1;
	s6 =	sadd.s32 s22, s4  }
0x9e: {  	[timem:s8], [sflag:s23] =	dma.local [hbm:s6], s21  }
0x9f: {  	_ =	swait.ge [sflag:s23], s21  }
0xa0: {  	s5 =	ssub.s32 $0x0, s21;
	[sflag:s23] =	ssyncset.done $0x0  }
0xa1: {  	[sflag:s23] =	ssyncadd.s32 s5;
	_ =	sdelay $0x1  }
0xa2: {  	s24 =	simm.s32 $0x1B8B  }
0xa3: {  	_ =	swait.ge [sflag:s24], $0x1  }
0xa4: {  	[sflag:s24] =	ssyncset.done $0x0  }
0xa5: {  	s25 =	simm.s32 $0x1B8E;
	[sflag:s24] =	ssyncadd.s32 $0xFFFFFFFF  }
0xa6: {  	s26 =	simm.s32 $execute0_lowered;
	[smem:$0x3FD2] =	sst s25  }
0xa7: {  	s5 =	sshll.u32 s26, $0x1;
	_ =	strace $0x80000046;
	[dreg:$0x1] =	wrdreg $0xFFFFFFFF  }
0xa8: {  	s28 =	simm.s32 $_size_execute0_lowered;
	s4 =	sadd.s32 s4, s5;
	[dreg:$0x0] =	wrdreg $0x0  }
0xa9: {  	s5 =	sshll.u32 s28, $0x1;
	[dreg:$0x2] =	wrdreg s4  }
0xaa: {  	[dreg:$0x3] =	wrdreg s5  }
0xab: {  	[dreg:$0x4] =	wrdreg $0xC0  }
0xac: {  	_ =	task [dreg:s8], $0x5FFFF  }
0xad: {  	[dreg:$0x1] =	wrdreg $0xFFFFFFFF  }
0xae: {  	[dreg:$0x0] =	wrdreg $0x60  }
0xaf: {  	[dreg:$0x2] =	wrdreg s2  }
0xb0: {  	[dreg:$0x3] =	wrdreg s19  }
0xb1: {  	[dreg:$0x4] =	wrdreg $0x190000  }
0xb2: {  	[dreg:$0x5] =	wrdreg $0x1A9000  }
0xb3: {  	[dreg:$0x6] =	wrdreg $0x1C2000  }
0xb4: {  	[dreg:$0x7] =	wrdreg $0x9  }
0xb5: {  	_ =	task.clear_ibuf [dreg:s8], $0x8FFFF;
	_ =	strace $0x90000046  }
0xb6: {  	s29 =	simm.s32 $0x9;
	_ =	strace $0x80000048  }
0xb7: {  	_ =	swait.ge [sflag:s29], $0x1  }
0xb8: {  	[sflag:s29] =	ssyncadd.s32 $0xFFFFFFFF  }
0xb9: {  	_ =	strace $0x90000048  }
0xba: {  	_ =	sfence  }
0xbb: {  	s30 =	sld [smem:$0x0];
	_ =	sdelay $0x2  }
0xbc: {  	s31 =	sshll.u32 s1, $0xD;
	s1 =	sshrl.u32 s1, $0x2  }
0xbd: {  	s3 =	sand.u32 $0x4000, s31;
	s1 =	sadd.s32 s1, s30  }
0xbe: {  	s0 =	sor.u32 s3, s0;
	s1 =	sshll.u32 s1, $0x11  }
0xbf: {  	s0 =	sor.u32 s1, s0  }
0xc0: {  	s0 =	sadd.s32 $0x8F2B, s0  }
0xc1: {  	[sflag:s0] =	ssyncadd.remote.s32 $0x1  }
0xc2: {  	_ =	sfence.sel $0xFFFF  }
0xc3: {  	[dreg:$0x0] =	wrdreg $0xFFFFFFFF;
	(pc) =	sbr.abs _section_cstart, $3  }
0xc4: {  	[dreg:$0x1] =	wrdreg $0xFFFFFFFF  }
0xc5: {  	_ =	task.clear_ibuf [dreg:s8], $0x2FFFF;
	_ =	strace $0x9FFFFFFF  }
0xc6: {  	(tm) =	ssettm $0x7FFFFFFF  }
0xc7: {  	_ =	shalt  }
tec
execute0_lowered:
.L_overlay_start_1:
0x0: {  	(tag) =	ssettag $0x1  }
0x1: {  	s2 =	rddreg [dreg:$0x0]  }
0x2: {  	s0 =	rddreg [dreg:$0x1]  }
0x3: {  	s4 =	rddreg [dreg:$0x2]  }
0x4: {  	s1 =	srdreg.scid;
	s5 =	rddreg [dreg:$0x3]  }
0x5: {  	s15 =	stileid.u32;
	s7 =	rddreg [dreg:$0x4]  }
0x6: {  	s6 =	sand.u32 $0x1, s1;
	s3 =	sand.u32 $0x1, s15;
	s9 =	smul.u32 $0xC800, s15  }
0x7: {  	s17 =	sshll.u32 s15, $0x1;
	s21 =	sshrl.u32 s15, $0x1;
	s1 =	sshll.u32 s6, $0x1  }
0x8: {  	p0 =	sgt.u32 s15, $0xD;
	s15 =	simm.s32 $0x7;
	s1 =	sor.u32 s3, s1  }
0x9: {  	s8 =	ssub.s32 $0x2, s6;
	s22 =	sadd.s32 $0x1C, s17;
	s3 =	smul.u32 $0x138800, s1  }
0xa: {  	s10 =	sshrl.u32 s8, $0x1;
	s26 =	sadd.s32 $0xFFF51000, s9;
	s1 =	simm.s32 $0x0  }
0xb: {  	s4 =	sadd.s32 s26, s4;
	s5 =	sadd.s32 s26, s5;
	s11 =	sshrl.u32 s3, $0x3  }
0xc: {  	s7 =	sadd.s32 s26, s7;
	[smem:$0x7FF] =	sst s1;
	s28 =	sadd.s32 $0x15E00, s11  }
0xd: {  	s3 =	ssub.s32 s8, s10;
	s30 =	sadd.s32 $0x17700, s11;
	s29 =	sadd.s32 s2, s28  }
0xe: {  	s10 =	simm.s32 $0x2;
	s12 =	sadd.s32 s2, s30;
	[dreg:$0x6] =	wrdreg s29  }
0xf: {  	s31 =	sadd.s32 $0x19000, s11;
	s9 =	sadd.s32 s0, s28;
	[dreg:$0x7] =	wrdreg s12  }
0x10: {  	s16 =	sadd.s32 $0x1A900, s11;
	s13 =	sadd.s32 s2, s31;
	[dreg:$0x8] =	wrdreg s9  }
0x11: {  	s19 =	sadd.s32 $0x1C200, s11;
	s14 =	sadd.s32 s0, s30;
	[dreg:$0x9] =	wrdreg s13  }
0x12: {  	s26 =	sadd.s32 $0x1F400, s11;
	s18 =	sadd.s32 s2, s16;
	[dreg:$0xa] =	wrdreg s14  }
0x13: {  	s20 =	sadd.s32 s2, s19;
	s8 =	sadd.s32 s0, s16;
	[dreg:$0xb] =	wrdreg s18  }
0x14: {  	s25 =	sadd.s32 s0, s19;
	s30 =	sadd.s32 s2, s26;
	[dreg:$0xd] =	wrdreg s20  }
0x15: {  	s19 =	sadd.s32 $0x23F00, s11;
	s13 =	sand.u32 $0x2, s17;
	[dreg:$0xe] =	wrdreg s8  }
0x16: {  	s12 =	sadd.s32 s0, s31;
	s9 =	sadd.s32 $0x54, s17;
	[dreg:$0x10] =	wrdreg s25  }
0x17: {  	s14 =	sadd.s32 $0x1DB00, s11;
	[dreg:$0x11] =	wrdreg s30;
	s17 =	sadd.s32 $0x22600, s11  }
0x18: {  	s20 =	sadd.s32 $0x25800, s11;
	[dreg:$0xc] =	wrdreg s12;
	s6 =	sor.u32 s6, s13  }
0x19: {  	s12 =	smul.u32 $0x6400, s21;
	s13 =	sshrl.u32 s22, $0x2;
	s9 =	sshrl.u32 s9, $0x2  }
0x1a: {  	s23 =	sadd.s32 s2, s14;
	s31 =	sadd.s32 s0, s14;
	s14 =	sadd.s32 $0x20D00, s11  }
0x1b: {  	s18 =	sadd.s32 s2, s17;
	s21 =	sadd.s32 s2, s19;
	[dreg:$0xf] =	wrdreg s23  }
0x1c: {  	s22 =	sadd.s32 s2, s20;
	s6 =	smul.u32 $0x138800, s6;
	[dreg:$0x12] =	wrdreg s31  }
0x1d: {  	s11 =	simm.s32 $0x3;
	s13 =	smul.u32 $0x6400, s13;
	[dreg:$0x16] =	wrdreg s18  }
0x1e: {  	s24 =	smul.u32 $0x6400, s9;
	s16 =	sadd.s32 s2, s14;
	[dreg:$0x18] =	wrdreg s21  }
0x1f: {  	s8 =	sadd.s32 s0, s14;
	[dreg:$0x1a] =	wrdreg s22;
	s23 =	sadd.s32 s0, s20  }
0x20: {  	s14 =	simm.s32 $0x6;
	s18 =	simm.s32 $0xA;
	[dreg:$0x14] =	wrdreg s16  }
0x21: {  	s20 =	simm.s32 $0xB;
	s21 =	simm.s32 $0xD;
	[dreg:$0x15] =	wrdreg s8  }
0x22: {  	s22 =	simm.s32 $0xE;
	s8 =	sadd.s32 s0, s17;
	[dreg:$0x1b] =	wrdreg s23  }
0x23: {  	s16 =	simm.s32 $0x8;
	s17 =	simm.s32 $0x9;
	s28 =	sadd.s32 s12, s6  }
0x24: {  	s29 =	sadd.s32 s13, s6;
	s13 =	sadd.s32 s0, s26;
	[dreg:$0x17] =	wrdreg s8  }
0x25: {  	s6 =	sadd.s32 s24, s6;
	s8 =	sadd.s32 s0, s19;
	[dreg:$0x13] =	wrdreg s13  }
0x26: {  	s12 =	simm.s32 $0x4;
	s19 =	simm.s32 $0xC;
	[dreg:$0x19] =	wrdreg s8  }
0x27: {  	s24 =	sadd.s32 $0x57800, s28;
	s25 =	sshrl.u32 s28, $0x3;
	s26 =	sshrl.u32 s29, $0x3  }
0x28: {  	s6 =	sshrl.u32 s6, $0x3;
	s13 =	simm.s32 $0x5;
	s28 =	sadd.s32 s2, s25  }
0x29: {  	s8 =	sshrl.u32 s24, $0x3;
	s9 =	sadd.s32 s0, s25;
	[dreg:$0x1c] =	wrdreg s28  }
0x2a: {  	s29 =	sadd.s32 s2, s26;
	s31 =	sadd.s32 s0, s26;
	[dreg:$0x1d] =	wrdreg s9  }
0x2b: {  	[dreg:$0x1e] =	wrdreg s29;
	s30 =	sadd.s32 s2, s8;
	s2 =	sadd.s32 s2, s6  }
.Ltmp0:
0x2c: {  	[smem:$0x7FD] =	sst s31;
	s26 =	sadd.s32 s0, s8;
	(pc) =	sbr.rel .LBB2_1-.Ltmp0, $4  }
0x2d: {  	s0 =	sadd.s32 s0, s6;
	s6 =	simm.s32 $0x6400;
	[dreg:$0x1f] =	wrdreg s30  }
0x2e: {  	s8 =	simm.s32 $0x1;
	s9 =	simm.s32 $0x12C00;
	[smem:$0x7FC] =	sst s2  }
0x2f: {  	s2 =	smax.u32 s3, $0x1;
	s3 =	sshrl.u32 s4, $0x3;
	s4 =	sshrl.u32 s5, $0x3  }
0x30: {  	s5 =	sshrl.u32 s7, $0x3;
	s7 =	simm.s32 $0xC800;
	_ =	strace $0x80000047  }
.LBB2_3:
0x31: {  	s23 =	stileid.u32  }
0x32: {  	s29 =	sshll.u32 s23, $0x6  }
0x33: {  	s30 =	rddreg [dreg:$0x6];
	s28 =	sor.u32 $0x1C09, s29  }
0x34: {  	[spmem:s3], [sflag:s28] =	dma.local [hbm:s30], $0x1900  }
0x35: {  	s23 =	sor.u32 $0x1C0A, s29;
	s24 =	rddreg [dreg:$0x7]  }
0x36: {  	[spmem:s4], [sflag:s23] =	dma.local [hbm:s24], $0x1900  }
0x37: {  	_ =	swait.ge [sflag:s17], $0x1900  }
0x38: {  	[sflag:s17] =	ssyncset.done $0x0  }
0x39: {  	s24 =	sor.u32 $0x1C0C, s29;
	s25 =	rddreg [dreg:$0x8];
	[sflag:s17] =	ssyncadd.s32 $0xFFFFE700  }
0x3a: {  	[hbm:s25], [sflag:s24] =	dma.local [spmem:s3], $0x1900  }
0x3b: {  	s30 =	sor.u32 $0x1C0B, s29;
	s25 =	rddreg [dreg:$0x9]  }
0x3c: {  	[spmem:s5], [sflag:s30] =	dma.local [hbm:s25], $0x1900  }
0x3d: {  	_ =	swait.ge [sflag:s18], $0x1900  }
0x3e: {  	[sflag:s18] =	ssyncset.done $0x0  }
0x3f: {  	s25 =	sor.u32 $0x1C0D, s29;
	s31 =	rddreg [dreg:$0xa];
	[sflag:s18] =	ssyncadd.s32 $0xFFFFE700  }
0x40: {  	[hbm:s31], [sflag:s25] =	dma.local [spmem:s4], $0x1900  }
0x41: {  	_ =	swait.ge [sflag:s19], $0x1900  }
0x42: {  	[sflag:s19] =	ssyncset.done $0x0  }
0x43: {  	s31 =	rddreg [dreg:$0xb];
	[sflag:s19] =	ssyncadd.s32 $0xFFFFE700  }
0x44: {  	[spmem:s3], [sflag:s28] =	dma.local [hbm:s31], $0x1900  }
0x45: {  	_ =	swait.ge [sflag:s20], $0x1900  }
0x46: {  	[sflag:s20] =	ssyncset.done $0x0  }
0x47: {  	s29 =	sor.u32 $0x1C0E, s29;
	s31 =	rddreg [dreg:$0xc];
	[sflag:s20] =	ssyncadd.s32 $0xFFFFE700  }
0x48: {  	[hbm:s31], [sflag:s29] =	dma.local [spmem:s5], $0x1900  }
0x49: {  	_ =	swait.ge [sflag:s21], $0x1900  }
0x4a: {  	[sflag:s21] =	ssyncset.done $0x0  }
0x4b: {  	s31 =	rddreg [dreg:$0xd];
	[sflag:s21] =	ssyncadd.s32 $0xFFFFE700  }
0x4c: {  	[spmem:s4], [sflag:s23] =	dma.local [hbm:s31], $0x1900  }
0x4d: {  	_ =	swait.ge [sflag:s17], $0x1900  }
0x4e: {  	[sflag:s17] =	ssyncset.done $0x0  }
0x4f: {  	s31 =	rddreg [dreg:$0xe];
	[sflag:s17] =	ssyncadd.s32 $0xFFFFE700  }
0x50: {  	[hbm:s31], [sflag:s24] =	dma.local [spmem:s3], $0x1900  }
0x51: {  	_ =	swait.ge [sflag:s22], $0x1900  }
0x52: {  	[sflag:s22] =	ssyncset.done $0x0  }
0x53: {  	s31 =	rddreg [dreg:$0xf];
	[sflag:s22] =	ssyncadd.s32 $0xFFFFE700  }
0x54: {  	[spmem:s5], [sflag:s30] =	dma.local [hbm:s31], $0x1900  }
0x55: {  	_ =	swait.ge [sflag:s18], $0x1900  }
0x56: {  	[sflag:s18] =	ssyncset.done $0x0  }
0x57: {  	s31 =	rddreg [dreg:$0x10];
	[sflag:s18] =	ssyncadd.s32 $0xFFFFE700  }
0x58: {  	[hbm:s31], [sflag:s25] =	dma.local [spmem:s4], $0x1900  }
0x59: {  	_ =	swait.ge [sflag:s19], $0x1900  }
0x5a: {  	[sflag:s19] =	ssyncset.done $0x0  }
0x5b: {  	s31 =	rddreg [dreg:$0x11];
	[sflag:s19] =	ssyncadd.s32 $0xFFFFE700  }
0x5c: {  	[spmem:s3], [sflag:s28] =	dma.local [hbm:s31], $0x1900  }
0x5d: {  	_ =	swait.ge [sflag:s20], $0x1900  }
0x5e: {  	[sflag:s20] =	ssyncset.done $0x0  }
0x5f: {  	s31 =	rddreg [dreg:$0x12];
	[sflag:s20] =	ssyncadd.s32 $0xFFFFE700  }
0x60: {  	[hbm:s31], [sflag:s29] =	dma.local [spmem:s5], $0x1900  }
0x61: {  	_ =	swait.ge [sflag:s21], $0x1900  }
0x62: {  	[sflag:s21] =	ssyncset.done $0x0  }
0x63: {  	s31 =	rddreg [dreg:$0x14];
	[sflag:s21] =	ssyncadd.s32 $0xFFFFE700  }
0x64: {  	[spmem:s4], [sflag:s23] =	dma.local [hbm:s31], $0x1900  }
0x65: {  	_ =	swait.ge [sflag:s17], $0x1900  }
0x66: {  	[sflag:s17] =	ssyncset.done $0x0  }
0x67: {  	s31 =	rddreg [dreg:$0x13];
	[sflag:s17] =	ssyncadd.s32 $0xFFFFE700  }
0x68: {  	[hbm:s31], [sflag:s24] =	dma.local [spmem:s3], $0x1900  }
0x69: {  	_ =	swait.ge [sflag:s22], $0x1900  }
0x6a: {  	[sflag:s22] =	ssyncset.done $0x0  }
0x6b: {  	s31 =	rddreg [dreg:$0x16];
	[sflag:s22] =	ssyncadd.s32 $0xFFFFE700  }
0x6c: {  	[spmem:s5], [sflag:s30] =	dma.local [hbm:s31], $0x1900  }
0x6d: {  	_ =	swait.ge [sflag:s18], $0x1900  }
0x6e: {  	[sflag:s18] =	ssyncset.done $0x0  }
0x6f: {  	s31 =	rddreg [dreg:$0x15];
	[sflag:s18] =	ssyncadd.s32 $0xFFFFE700  }
0x70: {  	[hbm:s31], [sflag:s25] =	dma.local [spmem:s4], $0x1900  }
0x71: {  	_ =	swait.ge [sflag:s19], $0x1900  }
0x72: {  	[sflag:s19] =	ssyncset.done $0x0  }
0x73: {  	s31 =	rddreg [dreg:$0x18];
	[sflag:s19] =	ssyncadd.s32 $0xFFFFE700  }
0x74: {  	[spmem:s3], [sflag:s28] =	dma.local [hbm:s31], $0x1900  }
0x75: {  	_ =	swait.ge [sflag:s20], $0x1900  }
0x76: {  	[sflag:s20] =	ssyncset.done $0x0  }
0x77: {  	s31 =	rddreg [dreg:$0x17];
	[sflag:s20] =	ssyncadd.s32 $0xFFFFE700  }
0x78: {  	[hbm:s31], [sflag:s29] =	dma.local [spmem:s5], $0x1900  }
0x79: {  	_ =	swait.ge [sflag:s21], $0x1900  }
0x7a: {  	[sflag:s21] =	ssyncset.done $0x0  }
0x7b: {  	s29 =	rddreg [dreg:$0x1a];
	[sflag:s21] =	ssyncadd.s32 $0xFFFFE700  }
0x7c: {  	[spmem:s4], [sflag:s23] =	dma.local [hbm:s29], $0x1900  }
0x7d: {  	_ =	swait.ge [sflag:s17], $0x1900  }
0x7e: {  	[sflag:s17] =	ssyncset.done $0x0  }
0x7f: {  	s30 =	rddreg [dreg:$0x19];
	[sflag:s17] =	ssyncadd.s32 $0xFFFFE700  }
0x80: {  	[hbm:s30], [sflag:s24] =	dma.local [spmem:s3], $0x1900  }
0x81: {  	_ =	swait.ge [sflag:s18], $0x1900  }
0x82: {  	[sflag:s18] =	ssyncset.done $0x0  }
0x83: {  	s31 =	rddreg [dreg:$0x1b];
	[sflag:s18] =	ssyncadd.s32 $0xFFFFE700  }
0x84: {  	[hbm:s31], [sflag:s25] =	dma.local [spmem:s4], $0x1900  }
0x85: {  	_ =	swait.ge [sflag:s22], $0x1900  }
0x86: {  	[sflag:s22] =	ssyncset.done $0x0  }
0x87: {  	[sflag:s22] =	ssyncadd.s32 $0xFFFFE700  }
0x88: {  	_ =	swait.ge [sflag:s19], $0x1900  }
0x89: {  	[sflag:s19] =	ssyncset.done $0x0  }
0x8a: {  	[sflag:s19] =	ssyncadd.s32 $0xFFFFE700  }
0x8b: {  	_ =	swait.ge [sflag:s21], $0x1900  }
0x8c: {  	[sflag:s21] =	ssyncset.done $0x0  }
0x8d: {  	[sflag:s21] =	ssyncadd.s32 $0xFFFFE700  }
.LBB2_4:
0x8e: {  	s2 =	sadd.s32 $0xFFFFFFFF, s2  }
0x8f: {  	p1 =	sne.s32 s2, $0x0  }
.Ltmp1:
0x90: {  	_ = 	snop;
	(pc) =	sbr.rel @!p1 .LBB2_5-.Ltmp1, $1  }
0x91: {  	_ =	sdelay $0x3  }
.LBB2_1:
.Ltmp2:
0x92: {  	(pc) =	sbr.rel @p0 .LBB2_3-.Ltmp2, $1  }
0x93: {  	_ =	sdelay $0x3  }
0x94: {  	s23 =	rddreg [dreg:$0x1c]  }
0x95: {  	[tilespmem:s1], [sflag:$0x1] =	stream.linear.gather [hbm4b:s23+s1], $0x6400, $0x38;
	[tilespmem:$0x1DB00] =	vst v63  }
0x96: {  	s25 =	rddreg [dreg:$0x1e]  }
0x97: {  	[tilespmem:s6], [sflag:$0x2] =	stream.linear.gather [hbm4b:s25+s1], $0x6400, $0x38;
	[tilespmem:$0x1DB00] =	vst v63  }
0x98: {  	s28 =	rddreg [dreg:$0x1f]  }
0x99: {  	[tilespmem:s7], [sflag:$0x3] =	stream.linear.gather [hbm4b:s28+s1], $0x6400, $0x38;
	[tilespmem:$0x1DB00] =	vst v63  }
0x9a: {  	_ =	swait.ge [sflag:s8], $0x6400  }
0x9b: {  	[sflag:s8] =	ssyncset.done $0x0;
	s29 =	rddreg [dreg:$0x1d]  }
0x9c: {  	s30 =	sld [smem:$0x7FC];
	[sflag:s8] =	ssyncadd.s32 $0xFFFF9C00  }
0x9d: {  	[hbm4b:s29+s1] =	stream.linear.scatter [tilespmem:s1], [sflag:$0x5], $0x6400, $0x38;
	[tilespmem:$0x1DB00] =	vst v63  }
0x9e: {  	_ = 	snop  }
0x9f: {  	[tilespmem:s9], [sflag:$0x4] =	stream.linear.gather [hbm4b:s30+s1], $0x6400, $0x38;
	[tilespmem:$0x1DB00] =	vst v63  }
0xa0: {  	_ =	swait.ge [sflag:s10], $0x6400  }
0xa1: {  	s31 =	sld [smem:$0x7FD]  }
0xa2: {  	[sflag:s10] =	ssyncset.done $0x0  }
0xa3: {  	[sflag:s10] =	ssyncadd.s32 $0xFFFF9C00  }
0xa4: {  	[hbm4b:s31+s1] =	stream.linear.scatter [tilespmem:s6], [sflag:$0x6], $0x6400, $0x38;
	[tilespmem:$0x1DB00] =	vst v63  }
0xa5: {  	_ =	swait.ge [sflag:s11], $0x6400  }
0xa6: {  	[sflag:s11] =	ssyncset.done $0x0  }
0xa7: {  	[sflag:s11] =	ssyncadd.s32 $0xFFFF9C00  }
0xa8: {  	[hbm4b:s26+s1] =	stream.linear.scatter [tilespmem:s7], [sflag:$0x7], $0x6400, $0x38;
	[tilespmem:$0x1DB00] =	vst v63  }
0xa9: {  	_ =	swait.ge [sflag:s12], $0x6400  }
0xaa: {  	[sflag:s12] =	ssyncset.done $0x0  }
0xab: {  	[sflag:s12] =	ssyncadd.s32 $0xFFFF9C00  }
0xac: {  	[hbm4b:s0+s1] =	stream.linear.scatter [tilespmem:s9], [sflag:$0x8], $0x6400, $0x38;
	[tilespmem:$0x1DB00] =	vst v63  }
0xad: {  	_ =	swait.ge [sflag:s13], $0x6400  }
0xae: {  	[sflag:s13] =	ssyncset.done $0x0  }
0xaf: {  	[sflag:s13] =	ssyncadd.s32 $0xFFFF9C00  }
0xb0: {  	_ =	swait.ge [sflag:s14], $0x6400  }
0xb1: {  	[sflag:s14] =	ssyncset.done $0x0  }
0xb2: {  	[sflag:s14] =	ssyncadd.s32 $0xFFFF9C00  }
0xb3: {  	_ =	swait.ge [sflag:s15], $0x6400  }
.Ltmp3:
0xb4: {  	[sflag:s15] =	ssyncset.done $0x0;
	(pc) =	sbr.rel .LBB2_4-.Ltmp3, $4  }
0xb5: {  	[sflag:s15] =	ssyncadd.s32 $0xFFFF9C00  }
0xb6: {  	_ =	swait.ge [sflag:s16], $0x6400  }
0xb7: {  	[sflag:s16] =	ssyncset.done $0x0  }
0xb8: {  	[sflag:s16] =	ssyncadd.s32 $0xFFFF9C00  }
.LBB2_5:
0xb9: {  	_ =	sfence.sel $0x180000  }
0xba: {  	[bflag:$0x0] =	sbarrier.arrive $0xFFFF  }
0xbb: {  	_ =	strace $0x90000047  }
0xbc: {  	s0 =	stileid.u32;
	[bflag:$0x2] =	sbarrier.arrive $0xFFFF  }
0xbd: {  	p0 =	sne.s32 s0, $0x0;
	s0 =	rddreg [dreg:$0x5]  }
0xbe: {  	s0 =	sadd.s32 @!p0 $0x100000, s0  }
0xbf: {  	[sflag:s0] =	ssyncadd.tile.s32 @!p0 $0x1;
	_ =	shalt  }
.Lfunc_end2:
_tile_overlayer_lowered:
.L_overlay_start_2:
0xc0: {  	(tag) =	ssettag $0x2  }
0xc1: {  	s0 =	rddreg [dreg:$0x0];
	s2 =	stileid.u32  }
0xc2: {  	s1 =	rddreg [dreg:$0x1];
	p0 =	sne.s32 s2, $0x0  }
0xc3: {  	s3 =	rddreg [dreg:$0x2];
	[bflag:$0x3] =	sbarrier.arrive $0xFFFF;
	s2 =	simm.s32 @!p0 $0x1C0F  }
0xc4: {  	[timem:s3], [sflag:s2] =	dma.local @!p0 [hbm:s0], s1  }
0xc5: {  	s0 =	simm.s32 @!p0 $0xF  }
0xc6: {  	_ =	swait.ge @!p0 [sflag:s0], s1  }
0xc7: {  	s1 =	ssub.s32 @!p0 $0x0, s1;
	[sflag:s0] =	ssyncset.done @!p0 $0x0  }
0xc8: {  	[sflag:s0] =	ssyncadd.s32 @!p0 s1  }
0xc9: {  	[bflag:$0x3] =	sbarrier.arrive $0xFFFF  }
0xca: {  	_ =	shalt  }

</sc_bundles>
